<compile_context>
chip_gen: v7x
topology: tpu7x:2x2x1
jax: 0.10.2.dev20260603
libtpu: 0.0.44.dev20260713+nightly
codegen_flags: <defaults>
</compile_context>

<pallas_src>
import functools

import jax
import jax.numpy as jnp
from jax import lax
from jax.experimental import pallas as pl
from jax.experimental.pallas import tpu as pltpu
from jax.experimental.pallas import tpu_sc as plsc

_NUM_CORES = 2
_NUM_SUBCORES = 16
_GE = 32


def kernel(board_tensor, emb_table):
    B, S, F = board_tensor.shape
    SN, E = emb_table.shape
    NW = _NUM_CORES * _NUM_SUBCORES
    bpw = B // NW
    n_emb = bpw // _GE

    mesh = plsc.VectorSubcoreMesh(
        core_axis_name="c", subcore_axis_name="s", num_cores=_NUM_CORES
    )

    @functools.partial(
        pl.kernel,
        out_type=jax.ShapeDtypeStruct((B, S, F + E), jnp.float32),
        mesh=mesh,
        compiler_params=pltpu.CompilerParams(use_tc_tiling_on_sc=False),
        scratch_types=[
            pltpu.VMEM((_GE, SN, E), jnp.float32),
            pltpu.SemaphoreType.DMA,
            pltpu.SemaphoreType.DMA,
            pltpu.SemaphoreType.DMA,
        ],
    )
    def k(board_hbm, emb_hbm, out_hbm, rep_v, sem_stage, sem_board, sem_emb):
        wid = lax.axis_index("s") * _NUM_CORES + lax.axis_index("c")
        base = wid * bpw

        for i in range(_GE):
            pltpu.make_async_copy(emb_hbm, rep_v.at[i], sem_stage).start()

        board_cp = pltpu.make_async_copy(
            board_hbm.at[pl.ds(base, bpw)],
            out_hbm.at[pl.ds(base, bpw), :, pl.ds(0, F)],
            sem_board,
        )
        board_cp.start()

        for i in range(_GE):
            pltpu.make_async_copy(emb_hbm, rep_v.at[i], sem_stage).wait()

        emb_cps = []
        for i in range(n_emb):
            cp = pltpu.make_async_copy(
                rep_v,
                out_hbm.at[pl.ds(base + i * _GE, _GE), :, pl.ds(F, E)],
                sem_emb,
            )
            cp.start()
            emb_cps.append(cp)

        board_cp.wait()
        for cp in emb_cps:
            cp.wait()

    return k(board_tensor, emb_table)

# --- scband reference (transcript-rebuilt; emitter-appended) ---
"""Pipeline reference for scband-positional-embedding-36644660970250 (READ-ONLY COPY).

The authoritative reference and input builder live on the scoring server;
editing this copy changes nothing except your own understanding.
"""

import jax, jax.numpy as jnp
import numpy as np

BATCH = 16384
SEQ = 64
FEAT = 128
NUM_TOKENS = 64
EMBED_DIM = 32


def setup_inputs(seed: int = 0) -> dict:
    key = jax.random.key(seed)
    k1, k2 = jax.random.split(key)
    board_tensor = jax.random.normal(k1, (BATCH, SEQ, FEAT), dtype=jnp.float32)
    # nn.Embedding weight init: N(0, 1)
    emb_table = jax.random.normal(k2, (NUM_TOKENS, EMBED_DIM), dtype=jnp.float32)
    return {"board_tensor": board_tensor, "emb_table": emb_table}


def reference(board_tensor, emb_table):
    batch_size = board_tensor.shape[0]
    positions = jnp.arange(64, dtype=jnp.int32)  # [64]
    positions = jnp.broadcast_to(positions[None, :], (batch_size, 64))  # [B, 64]
    pos_emb = jnp.take(emb_table, positions, axis=0)  # [B, 64, embed_dim] gather
    return jnp.concatenate([board_tensor, pos_emb], axis=2)

if __name__ == "__main__":
    import jax
    _d = setup_inputs()
    print(jax.jit(kernel)(*tuple(_d.values())))

</pallas_src>

<mosaic_0001>
#map = affine_map<(d0, d1) -> (0, 0, 0)>
#map1 = affine_map<(d0, d1) -> (0, 0)>
module attributes {stable_mosaic.version = 14 : i64} {
  func.func @k(%arg0: i32, %arg1: i32, %arg2: memref<16384x64x128xf32, #tpu.memory_space<hbm>>, %arg3: memref<64x32xf32, #tpu.memory_space<hbm>>, %arg4: memref<16384x64x160xf32, #tpu.memory_space<hbm>>, %arg5: memref<32x64x32xf32, #tpu.memory_space<vmem>>, %arg6: memref<!tpu.dma_semaphore, #tpu.memory_space<semaphore_mem>>, %arg7: memref<!tpu.dma_semaphore, #tpu.memory_space<semaphore_mem>>, %arg8: memref<!tpu.dma_semaphore, #tpu.memory_space<semaphore_mem>>) attributes {dimension_semantics = [#tpu.dimension_semantics<core_parallel>, #tpu.dimension_semantics<subcore_parallel>], iteration_bounds = array<i64: 2, 16>, scalar_prefetch = 0 : i64, scratch_operands = 4 : i64, tpu.core_type = #tpu.core_type<sc_vector_subcore>, window_params = [{transform_indices = #map}, {transform_indices = #map1}, {transform_indices = #map}]} {
    %mul3A = arith.constant 2 : i32
    %mul3A_0 = arith.muli %arg1, %mul3A : i32
    %add3A = arith.addi %mul3A_0, %arg0 : i32
    %mul3A_1 = arith.constant 512 : i32
    %mul3A_2 = arith.muli %add3A, %mul3A_1 : i32
    %dma_start3A = arith.constant 0 : i32
    %dma_start3A_3 = arith.constant 0 : i32
    %dma_start3A_4 = arith.constant 0 : i32
    %dma_start3A_5 = tpu.memref_slice %arg5[%dma_start3A, %dma_start3A_3, %dma_start3A_4] : memref<32x64x32xf32, #tpu.memory_space<vmem>> -> memref<1x64x32xf32, #tpu.memory_space<vmem>>
    %dma_start3A_6 = tpu.memref_squeeze %dma_start3A_5 : memref<1x64x32xf32, #tpu.memory_space<vmem>> -> memref<64x32xf32, #tpu.memory_space<vmem>>
    %dma_start3A_7 = arith.constant 0 : i32
    %dma_start3A_8 = arith.constant 0 : i32
    %dma_start3A_9 = tpu.memref_slice %arg5[%dma_start3A, %dma_start3A_7, %dma_start3A_8] : memref<32x64x32xf32, #tpu.memory_space<vmem>> -> memref<1x64x32xf32, #tpu.memory_space<vmem>>
    %dma_start3A_10 = tpu.memref_squeeze %dma_start3A_9 : memref<1x64x32xf32, #tpu.memory_space<vmem>> -> memref<64x32xf32, #tpu.memory_space<vmem>>
    tpu.enqueue_dma source(%arg3 : memref<64x32xf32, #tpu.memory_space<hbm>>) target(%dma_start3A_10 : memref<64x32xf32, #tpu.memory_space<vmem>>) target_semaphore(%arg6 : memref<!tpu.dma_semaphore, #tpu.memory_space<semaphore_mem>>)
    %dma_start3A_11 = arith.constant 1 : i32
    %dma_start3A_12 = arith.constant 0 : i32
    %dma_start3A_13 = arith.constant 0 : i32
    %dma_start3A_14 = tpu.memref_slice %arg5[%dma_start3A_11, %dma_start3A_12, %dma_start3A_13] : memref<32x64x32xf32, #tpu.memory_space<vmem>> -> memref<1x64x32xf32, #tpu.memory_space<vmem>>
    %dma_start3A_15 = tpu.memref_squeeze %dma_start3A_14 : memref<1x64x32xf32, #tpu.memory_space<vmem>> -> memref<64x32xf32, #tpu.memory_space<vmem>>
    %dma_start3A_16 = arith.constant 0 : i32
    %dma_start3A_17 = arith.constant 0 : i32
    %dma_start3A_18 = tpu.memref_slice %arg5[%dma_start3A_11, %dma_start3A_16, %dma_start3A_17] : memref<32x64x32xf32, #tpu.memory_space<vmem>> -> memref<1x64x32xf32, #tpu.memory_space<vmem>>
    %dma_start3A_19 = tpu.memref_squeeze %dma_start3A_18 : memref<1x64x32xf32, #tpu.memory_space<vmem>> -> memref<64x32xf32, #tpu.memory_space<vmem>>
    tpu.enqueue_dma source(%arg3 : memref<64x32xf32, #tpu.memory_space<hbm>>) target(%dma_start3A_19 : memref<64x32xf32, #tpu.memory_space<vmem>>) target_semaphore(%arg6 : memref<!tpu.dma_semaphore, #tpu.memory_space<semaphore_mem>>)
    %dma_start3A_20 = arith.constant 2 : i32
    %dma_start3A_21 = arith.constant 0 : i32
    %dma_start3A_22 = arith.constant 0 : i32
    %dma_start3A_23 = tpu.memref_slice %arg5[%dma_start3A_20, %dma_start3A_21, %dma_start3A_22] : memref<32x64x32xf32, #tpu.memory_space<vmem>> -> memref<1x64x32xf32, #tpu.memory_space<vmem>>
    %dma_start3A_24 = tpu.memref_squeeze %dma_start3A_23 : memref<1x64x32xf32, #tpu.memory_space<vmem>> -> memref<64x32xf32, #tpu.memory_space<vmem>>
    %dma_start3A_25 = arith.constant 0 : i32
    %dma_start3A_26 = arith.constant 0 : i32
    %dma_start3A_27 = tpu.memref_slice %arg5[%dma_start3A_20, %dma_start3A_25, %dma_start3A_26] : memref<32x64x32xf32, #tpu.memory_space<vmem>> -> memref<1x64x32xf32, #tpu.memory_space<vmem>>
    %dma_start3A_28 = tpu.memref_squeeze %dma_start3A_27 : memref<1x64x32xf32, #tpu.memory_space<vmem>> -> memref<64x32xf32, #tpu.memory_space<vmem>>
    tpu.enqueue_dma source(%arg3 : memref<64x32xf32, #tpu.memory_space<hbm>>) target(%dma_start3A_28 : memref<64x32xf32, #tpu.memory_space<vmem>>) target_semaphore(%arg6 : memref<!tpu.dma_semaphore, #tpu.memory_space<semaphore_mem>>)
    %dma_start3A_29 = arith.constant 3 : i32
    %dma_start3A_30 = arith.constant 0 : i32
    %dma_start3A_31 = arith.constant 0 : i32
    %dma_start3A_32 = tpu.memref_slice %arg5[%dma_start3A_29, %dma_start3A_30, %dma_start3A_31] : memref<32x64x32xf32, #tpu.memory_space<vmem>> -> memref<1x64x32xf32, #tpu.memory_space<vmem>>
    %dma_start3A_33 = tpu.memref_squeeze %dma_start3A_32 : memref<1x64x32xf32, #tpu.memory_space<vmem>> -> memref<64x32xf32, #tpu.memory_space<vmem>>
    %dma_start3A_34 = arith.constant 0 : i32
    %dma_start3A_35 = arith.constant 0 : i32
    %dma_start3A_36 = tpu.memref_slice %arg5[%dma_start3A_29, %dma_start3A_34, %dma_start3A_35] : memref<32x64x32xf32, #tpu.memory_space<vmem>> -> memref<1x64x32xf32, #tpu.memory_space<vmem>>
    %dma_start3A_37 = tpu.memref_squeeze %dma_start3A_36 : memref<1x64x32xf32, #tpu.memory_space<vmem>> -> memref<64x32xf32, #tpu.memory_space<vmem>>
    tpu.enqueue_dma source(%arg3 : memref<64x32xf32, #tpu.memory_space<hbm>>) target(%dma_start3A_37 : memref<64x32xf32, #tpu.memory_space<vmem>>) target_semaphore(%arg6 : memref<!tpu.dma_semaphore, #tpu.memory_space<semaphore_mem>>)
    %dma_start3A_38 = arith.constant 4 : i32
    %dma_start3A_39 = arith.constant 0 : i32
    %dma_start3A_40 = arith.constant 0 : i32
    %dma_start3A_41 = tpu.memref_slice %arg5[%dma_start3A_38, %dma_start3A_39, %dma_start3A_40] : memref<32x64x32xf32, #tpu.memory_space<vmem>> -> memref<1x64x32xf32, #tpu.memory_space<vmem>>
    %dma_start3A_42 = tpu.memref_squeeze %dma_start3A_41 : memref<1x64x32xf32, #tpu.memory_space<vmem>> -> memref<64x32xf32, #tpu.memory_space<vmem>>
    %dma_start3A_43 = arith.constant 0 : i32
    %dma_start3A_44 = arith.constant 0 : i32
    %dma_start3A_45 = tpu.memref_slice %arg5[%dma_start3A_38, %dma_start3A_43, %dma_start3A_44] : memref<32x64x32xf32, #tpu.memory_space<vmem>> -> memref<1x64x32xf32, #tpu.memory_space<vmem>>
    %dma_start3A_46 = tpu.memref_squeeze %dma_start3A_45 : memref<1x64x32xf32, #tpu.memory_space<vmem>> -> memref<64x32xf32, #tpu.memory_space<vmem>>
    tpu.enqueue_dma source(%arg3 : memref<64x32xf32, #tpu.memory_space<hbm>>) target(%dma_start3A_46 : memref<64x32xf32, #tpu.memory_space<vmem>>) target_semaphore(%arg6 : memref<!tpu.dma_semaphore, #tpu.memory_space<semaphore_mem>>)
    %dma_start3A_47 = arith.constant 5 : i32
    %dma_start3A_48 = arith.constant 0 : i32
    %dma_start3A_49 = arith.constant 0 : i32
    %dma_start3A_50 = tpu.memref_slice %arg5[%dma_start3A_47, %dma_start3A_48, %dma_start3A_49] : memref<32x64x32xf32, #tpu.memory_space<vmem>> -> memref<1x64x32xf32, #tpu.memory_space<vmem>>
    %dma_start3A_51 = tpu.memref_squeeze %dma_start3A_50 : memref<1x64x32xf32, #tpu.memory_space<vmem>> -> memref<64x32xf32, #tpu.memory_space<vmem>>
    %dma_start3A_52 = arith.constant 0 : i32
    %dma_start3A_53 = arith.constant 0 : i32
    %dma_start3A_54 = tpu.memref_slice %arg5[%dma_start3A_47, %dma_start3A_52, %dma_start3A_53] : memref<32x64x32xf32, #tpu.memory_space<vmem>> -> memref<1x64x32xf32, #tpu.memory_space<vmem>>
    %dma_start3A_55 = tpu.memref_squeeze %dma_start3A_54 : memref<1x64x32xf32, #tpu.memory_space<vmem>> -> memref<64x32xf32, #tpu.memory_space<vmem>>
    tpu.enqueue_dma source(%arg3 : memref<64x32xf32, #tpu.memory_space<hbm>>) target(%dma_start3A_55 : memref<64x32xf32, #tpu.memory_space<vmem>>) target_semaphore(%arg6 : memref<!tpu.dma_semaphore, #tpu.memory_space<semaphore_mem>>)
    %dma_start3A_56 = arith.constant 6 : i32
    %dma_start3A_57 = arith.constant 0 : i32
    %dma_start3A_58 = arith.constant 0 : i32
    %dma_start3A_59 = tpu.memref_slice %arg5[%dma_start3A_56, %dma_start3A_57, %dma_start3A_58] : memref<32x64x32xf32, #tpu.memory_space<vmem>> -> memref<1x64x32xf32, #tpu.memory_space<vmem>>
    %dma_start3A_60 = tpu.memref_squeeze %dma_start3A_59 : memref<1x64x32xf32, #tpu.memory_space<vmem>> -> memref<64x32xf32, #tpu.memory_space<vmem>>
    %dma_start3A_61 = arith.constant 0 : i32
    %dma_start3A_62 = arith.constant 0 : i32
    %dma_start3A_63 = tpu.memref_slice %arg5[%dma_start3A_56, %dma_start3A_61, %dma_start3A_62] : memref<32x64x32xf32, #tpu.memory_space<vmem>> -> memref<1x64x32xf32, #tpu.memory_space<vmem>>
    %dma_start3A_64 = tpu.memref_squeeze %dma_start3A_63 : memref<1x64x32xf32, #tpu.memory_space<vmem>> -> memref<64x32xf32, #tpu.memory_space<vmem>>
    tpu.enqueue_dma source(%arg3 : memref<64x32xf32, #tpu.memory_space<hbm>>) target(%dma_start3A_64 : memref<64x32xf32, #tpu.memory_space<vmem>>) target_semaphore(%arg6 : memref<!tpu.dma_semaphore, #tpu.memory_space<semaphore_mem>>)
    %dma_start3A_65 = arith.constant 7 : i32
    %dma_start3A_66 = arith.constant 0 : i32
    %dma_start3A_67 = arith.constant 0 : i32
    %dma_start3A_68 = tpu.memref_slice %arg5[%dma_start3A_65, %dma_start3A_66, %dma_start3A_67] : memref<32x64x32xf32, #tpu.memory_space<vmem>> -> memref<1x64x32xf32, #tpu.memory_space<vmem>>
    %dma_start3A_69 = tpu.memref_squeeze %dma_start3A_68 : memref<1x64x32xf32, #tpu.memory_space<vmem>> -> memref<64x32xf32, #tpu.memory_space<vmem>>
    %dma_start3A_70 = arith.constant 0 : i32
    %dma_start3A_71 = arith.constant 0 : i32
    %dma_start3A_72 = tpu.memref_slice %arg5[%dma_start3A_65, %dma_start3A_70, %dma_start3A_71] : memref<32x64x32xf32, #tpu.memory_space<vmem>> -> memref<1x64x32xf32, #tpu.memory_space<vmem>>
    %dma_start3A_73 = tpu.memref_squeeze %dma_start3A_72 : memref<1x64x32xf32, #tpu.memory_space<vmem>> -> memref<64x32xf32, #tpu.memory_space<vmem>>
    tpu.enqueue_dma source(%arg3 : memref<64x32xf32, #tpu.memory_space<hbm>>) target(%dma_start3A_73 : memref<64x32xf32, #tpu.memory_space<vmem>>) target_semaphore(%arg6 : memref<!tpu.dma_semaphore, #tpu.memory_space<semaphore_mem>>)
    %dma_start3A_74 = arith.constant 8 : i32
    %dma_start3A_75 = arith.constant 0 : i32
    %dma_start3A_76 = arith.constant 0 : i32
    %dma_start3A_77 = tpu.memref_slice %arg5[%dma_start3A_74, %dma_start3A_75, %dma_start3A_76] : memref<32x64x32xf32, #tpu.memory_space<vmem>> -> memref<1x64x32xf32, #tpu.memory_space<vmem>>
    %dma_start3A_78 = tpu.memref_squeeze %dma_start3A_77 : memref<1x64x32xf32, #tpu.memory_space<vmem>> -> memref<64x32xf32, #tpu.memory_space<vmem>>
    %dma_start3A_79 = arith.constant 0 : i32
    %dma_start3A_80 = arith.constant 0 : i32
    %dma_start3A_81 = tpu.memref_slice %arg5[%dma_start3A_74, %dma_start3A_79, %dma_start3A_80] : memref<32x64x32xf32, #tpu.memory_space<vmem>> -> memref<1x64x32xf32, #tpu.memory_space<vmem>>
    %dma_start3A_82 = tpu.memref_squeeze %dma_start3A_81 : memref<1x64x32xf32, #tpu.memory_space<vmem>> -> memref<64x32xf32, #tpu.memory_space<vmem>>
    tpu.enqueue_dma source(%arg3 : memref<64x32xf32, #tpu.memory_space<hbm>>) target(%dma_start3A_82 : memref<64x32xf32, #tpu.memory_space<vmem>>) target_semaphore(%arg6 : memref<!tpu.dma_semaphore, #tpu.memory_space<semaphore_mem>>)
    %dma_start3A_83 = arith.constant 9 : i32
    %dma_start3A_84 = arith.constant 0 : i32
    %dma_start3A_85 = arith.constant 0 : i32
    %dma_start3A_86 = tpu.memref_slice %arg5[%dma_start3A_83, %dma_start3A_84, %dma_start3A_85] : memref<32x64x32xf32, #tpu.memory_space<vmem>> -> memref<1x64x32xf32, #tpu.memory_space<vmem>>
    %dma_start3A_87 = tpu.memref_squeeze %dma_start3A_86 : memref<1x64x32xf32, #tpu.memory_space<vmem>> -> memref<64x32xf32, #tpu.memory_space<vmem>>
    %dma_start3A_88 = arith.constant 0 : i32
    %dma_start3A_89 = arith.constant 0 : i32
    %dma_start3A_90 = tpu.memref_slice %arg5[%dma_start3A_83, %dma_start3A_88, %dma_start3A_89] : memref<32x64x32xf32, #tpu.memory_space<vmem>> -> memref<1x64x32xf32, #tpu.memory_space<vmem>>
    %dma_start3A_91 = tpu.memref_squeeze %dma_start3A_90 : memref<1x64x32xf32, #tpu.memory_space<vmem>> -> memref<64x32xf32, #tpu.memory_space<vmem>>
    tpu.enqueue_dma source(%arg3 : memref<64x32xf32, #tpu.memory_space<hbm>>) target(%dma_start3A_91 : memref<64x32xf32, #tpu.memory_space<vmem>>) target_semaphore(%arg6 : memref<!tpu.dma_semaphore, #tpu.memory_space<semaphore_mem>>)
    %dma_start3A_92 = arith.constant 10 : i32
    %dma_start3A_93 = arith.constant 0 : i32
    %dma_start3A_94 = arith.constant 0 : i32
    %dma_start3A_95 = tpu.memref_slice %arg5[%dma_start3A_92, %dma_start3A_93, %dma_start3A_94] : memref<32x64x32xf32, #tpu.memory_space<vmem>> -> memref<1x64x32xf32, #tpu.memory_space<vmem>>
    %dma_start3A_96 = tpu.memref_squeeze %dma_start3A_95 : memref<1x64x32xf32, #tpu.memory_space<vmem>> -> memref<64x32xf32, #tpu.memory_space<vmem>>
    %dma_start3A_97 = arith.constant 0 : i32
    %dma_start3A_98 = arith.constant 0 : i32
    %dma_start3A_99 = tpu.memref_slice %arg5[%dma_start3A_92, %dma_start3A_97, %dma_start3A_98] : memref<32x64x32xf32, #tpu.memory_space<vmem>> -> memref<1x64x32xf32, #tpu.memory_space<vmem>>
    %dma_start3A_100 = tpu.memref_squeeze %dma_start3A_99 : memref<1x64x32xf32, #tpu.memory_space<vmem>> -> memref<64x32xf32, #tpu.memory_space<vmem>>
    tpu.enqueue_dma source(%arg3 : memref<64x32xf32, #tpu.memory_space<hbm>>) target(%dma_start3A_100 : memref<64x32xf32, #tpu.memory_space<vmem>>) target_semaphore(%arg6 : memref<!tpu.dma_semaphore, #tpu.memory_space<semaphore_mem>>)
    %dma_start3A_101 = arith.constant 11 : i32
    %dma_start3A_102 = arith.constant 0 : i32
    %dma_start3A_103 = arith.constant 0 : i32
    %dma_start3A_104 = tpu.memref_slice %arg5[%dma_start3A_101, %dma_start3A_102, %dma_start3A_103] : memref<32x64x32xf32, #tpu.memory_space<vmem>> -> memref<1x64x32xf32, #tpu.memory_space<vmem>>
    %dma_start3A_105 = tpu.memref_squeeze %dma_start3A_104 : memref<1x64x32xf32, #tpu.memory_space<vmem>> -> memref<64x32xf32, #tpu.memory_space<vmem>>
    %dma_start3A_106 = arith.constant 0 : i32
    %dma_start3A_107 = arith.constant 0 : i32
    %dma_start3A_108 = tpu.memref_slice %arg5[%dma_start3A_101, %dma_start3A_106, %dma_start3A_107] : memref<32x64x32xf32, #tpu.memory_space<vmem>> -> memref<1x64x32xf32, #tpu.memory_space<vmem>>
    %dma_start3A_109 = tpu.memref_squeeze %dma_start3A_108 : memref<1x64x32xf32, #tpu.memory_space<vmem>> -> memref<64x32xf32, #tpu.memory_space<vmem>>
    tpu.enqueue_dma source(%arg3 : memref<64x32xf32, #tpu.memory_space<hbm>>) target(%dma_start3A_109 : memref<64x32xf32, #tpu.memory_space<vmem>>) target_semaphore(%arg6 : memref<!tpu.dma_semaphore, #tpu.memory_space<semaphore_mem>>)
    %dma_start3A_110 = arith.constant 12 : i32
    %dma_start3A_111 = arith.constant 0 : i32
    %dma_start3A_112 = arith.constant 0 : i32
    %dma_start3A_113 = tpu.memref_slice %arg5[%dma_start3A_110, %dma_start3A_111, %dma_start3A_112] : memref<32x64x32xf32, #tpu.memory_space<vmem>> -> memref<1x64x32xf32, #tpu.memory_space<vmem>>
    %dma_start3A_114 = tpu.memref_squeeze %dma_start3A_113 : memref<1x64x32xf32, #tpu.memory_space<vmem>> -> memref<64x32xf32, #tpu.memory_space<vmem>>
    %dma_start3A_115 = arith.constant 0 : i32
    %dma_start3A_116 = arith.constant 0 : i32
    %dma_start3A_117 = tpu.memref_slice %arg5[%dma_start3A_110, %dma_start3A_115, %dma_start3A_116] : memref<32x64x32xf32, #tpu.memory_space<vmem>> -> memref<1x64x32xf32, #tpu.memory_space<vmem>>
    %dma_start3A_118 = tpu.memref_squeeze %dma_start3A_117 : memref<1x64x32xf32, #tpu.memory_space<vmem>> -> memref<64x32xf32, #tpu.memory_space<vmem>>
    tpu.enqueue_dma source(%arg3 : memref<64x32xf32, #tpu.memory_space<hbm>>) target(%dma_start3A_118 : memref<64x32xf32, #tpu.memory_space<vmem>>) target_semaphore(%arg6 : memref<!tpu.dma_semaphore, #tpu.memory_space<semaphore_mem>>)
    %dma_start3A_119 = arith.constant 13 : i32
    %dma_start3A_120 = arith.constant 0 : i32
    %dma_start3A_121 = arith.constant 0 : i32
    %dma_start3A_122 = tpu.memref_slice %arg5[%dma_start3A_119, %dma_start3A_120, %dma_start3A_121] : memref<32x64x32xf32, #tpu.memory_space<vmem>> -> memref<1x64x32xf32, #tpu.memory_space<vmem>>
    %dma_start3A_123 = tpu.memref_squeeze %dma_start3A_122 : memref<1x64x32xf32, #tpu.memory_space<vmem>> -> memref<64x32xf32, #tpu.memory_space<vmem>>
    %dma_start3A_124 = arith.constant 0 : i32
    %dma_start3A_125 = arith.constant 0 : i32
    %dma_start3A_126 = tpu.memref_slice %arg5[%dma_start3A_119, %dma_start3A_124, %dma_start3A_125] : memref<32x64x32xf32, #tpu.memory_space<vmem>> -> memref<1x64x32xf32, #tpu.memory_space<vmem>>
    %dma_start3A_127 = tpu.memref_squeeze %dma_start3A_126 : memref<1x64x32xf32, #tpu.memory_space<vmem>> -> memref<64x32xf32, #tpu.memory_space<vmem>>
    tpu.enqueue_dma source(%arg3 : memref<64x32xf32, #tpu.memory_space<hbm>>) target(%dma_start3A_127 : memref<64x32xf32, #tpu.memory_space<vmem>>) target_semaphore(%arg6 : memref<!tpu.dma_semaphore, #tpu.memory_space<semaphore_mem>>)
    %dma_start3A_128 = arith.constant 14 : i32
    %dma_start3A_129 = arith.constant 0 : i32
    %dma_start3A_130 = arith.constant 0 : i32
    %dma_start3A_131 = tpu.memref_slice %arg5[%dma_start3A_128, %dma_start3A_129, %dma_start3A_130] : memref<32x64x32xf32, #tpu.memory_space<vmem>> -> memref<1x64x32xf32, #tpu.memory_space<vmem>>
    %dma_start3A_132 = tpu.memref_squeeze %dma_start3A_131 : memref<1x64x32xf32, #tpu.memory_space<vmem>> -> memref<64x32xf32, #tpu.memory_space<vmem>>
    %dma_start3A_133 = arith.constant 0 : i32
    %dma_start3A_134 = arith.constant 0 : i32
    %dma_start3A_135 = tpu.memref_slice %arg5[%dma_start3A_128, %dma_start3A_133, %dma_start3A_134] : memref<32x64x32xf32, #tpu.memory_space<vmem>> -> memref<1x64x32xf32, #tpu.memory_space<vmem>>
    %dma_start3A_136 = tpu.memref_squeeze %dma_start3A_135 : memref<1x64x32xf32, #tpu.memory_space<vmem>> -> memref<64x32xf32, #tpu.memory_space<vmem>>
    tpu.enqueue_dma source(%arg3 : memref<64x32xf32, #tpu.memory_space<hbm>>) target(%dma_start3A_136 : memref<64x32xf32, #tpu.memory_space<vmem>>) target_semaphore(%arg6 : memref<!tpu.dma_semaphore, #tpu.memory_space<semaphore_mem>>)
    %dma_start3A_137 = arith.constant 15 : i32
    %dma_start3A_138 = arith.constant 0 : i32
    %dma_start3A_139 = arith.constant 0 : i32
    %dma_start3A_140 = tpu.memref_slice %arg5[%dma_start3A_137, %dma_start3A_138, %dma_start3A_139] : memref<32x64x32xf32, #tpu.memory_space<vmem>> -> memref<1x64x32xf32, #tpu.memory_space<vmem>>
    %dma_start3A_141 = tpu.memref_squeeze %dma_start3A_140 : memref<1x64x32xf32, #tpu.memory_space<vmem>> -> memref<64x32xf32, #tpu.memory_space<vmem>>
    %dma_start3A_142 = arith.constant 0 : i32
    %dma_start3A_143 = arith.constant 0 : i32
    %dma_start3A_144 = tpu.memref_slice %arg5[%dma_start3A_137, %dma_start3A_142, %dma_start3A_143] : memref<32x64x32xf32, #tpu.memory_space<vmem>> -> memref<1x64x32xf32, #tpu.memory_space<vmem>>
    %dma_start3A_145 = tpu.memref_squeeze %dma_start3A_144 : memref<1x64x32xf32, #tpu.memory_space<vmem>> -> memref<64x32xf32, #tpu.memory_space<vmem>>
    tpu.enqueue_dma source(%arg3 : memref<64x32xf32, #tpu.memory_space<hbm>>) target(%dma_start3A_145 : memref<64x32xf32, #tpu.memory_space<vmem>>) target_semaphore(%arg6 : memref<!tpu.dma_semaphore, #tpu.memory_space<semaphore_mem>>)
    %dma_start3A_146 = arith.constant 16 : i32
    %dma_start3A_147 = arith.constant 0 : i32
    %dma_start3A_148 = arith.constant 0 : i32
    %dma_start3A_149 = tpu.memref_slice %arg5[%dma_start3A_146, %dma_start3A_147, %dma_start3A_148] : memref<32x64x32xf32, #tpu.memory_space<vmem>> -> memref<1x64x32xf32, #tpu.memory_space<vmem>>
    %dma_start3A_150 = tpu.memref_squeeze %dma_start3A_149 : memref<1x64x32xf32, #tpu.memory_space<vmem>> -> memref<64x32xf32, #tpu.memory_space<vmem>>
    %dma_start3A_151 = arith.constant 0 : i32
    %dma_start3A_152 = arith.constant 0 : i32
    %dma_start3A_153 = tpu.memref_slice %arg5[%dma_start3A_146, %dma_start3A_151, %dma_start3A_152] : memref<32x64x32xf32, #tpu.memory_space<vmem>> -> memref<1x64x32xf32, #tpu.memory_space<vmem>>
    %dma_start3A_154 = tpu.memref_squeeze %dma_start3A_153 : memref<1x64x32xf32, #tpu.memory_space<vmem>> -> memref<64x32xf32, #tpu.memory_space<vmem>>
    tpu.enqueue_dma source(%arg3 : memref<64x32xf32, #tpu.memory_space<hbm>>) target(%dma_start3A_154 : memref<64x32xf32, #tpu.memory_space<vmem>>) target_semaphore(%arg6 : memref<!tpu.dma_semaphore, #tpu.memory_space<semaphore_mem>>)
    %dma_start3A_155 = arith.constant 17 : i32
    %dma_start3A_156 = arith.constant 0 : i32
    %dma_start3A_157 = arith.constant 0 : i32
    %dma_start3A_158 = tpu.memref_slice %arg5[%dma_start3A_155, %dma_start3A_156, %dma_start3A_157] : memref<32x64x32xf32, #tpu.memory_space<vmem>> -> memref<1x64x32xf32, #tpu.memory_space<vmem>>
    %dma_start3A_159 = tpu.memref_squeeze %dma_start3A_158 : memref<1x64x32xf32, #tpu.memory_space<vmem>> -> memref<64x32xf32, #tpu.memory_space<vmem>>
    %dma_start3A_160 = arith.constant 0 : i32
    %dma_start3A_161 = arith.constant 0 : i32
    %dma_start3A_162 = tpu.memref_slice %arg5[%dma_start3A_155, %dma_start3A_160, %dma_start3A_161] : memref<32x64x32xf32, #tpu.memory_space<vmem>> -> memref<1x64x32xf32, #tpu.memory_space<vmem>>
    %dma_start3A_163 = tpu.memref_squeeze %dma_start3A_162 : memref<1x64x32xf32, #tpu.memory_space<vmem>> -> memref<64x32xf32, #tpu.memory_space<vmem>>
    tpu.enqueue_dma source(%arg3 : memref<64x32xf32, #tpu.memory_space<hbm>>) target(%dma_start3A_163 : memref<64x32xf32, #tpu.memory_space<vmem>>) target_semaphore(%arg6 : memref<!tpu.dma_semaphore, #tpu.memory_space<semaphore_mem>>)
    %dma_start3A_164 = arith.constant 18 : i32
    %dma_start3A_165 = arith.constant 0 : i32
    %dma_start3A_166 = arith.constant 0 : i32
    %dma_start3A_167 = tpu.memref_slice %arg5[%dma_start3A_164, %dma_start3A_165, %dma_start3A_166] : memref<32x64x32xf32, #tpu.memory_space<vmem>> -> memref<1x64x32xf32, #tpu.memory_space<vmem>>
    %dma_start3A_168 = tpu.memref_squeeze %dma_start3A_167 : memref<1x64x32xf32, #tpu.memory_space<vmem>> -> memref<64x32xf32, #tpu.memory_space<vmem>>
    %dma_start3A_169 = arith.constant 0 : i32
    %dma_start3A_170 = arith.constant 0 : i32
    %dma_start3A_171 = tpu.memref_slice %arg5[%dma_start3A_164, %dma_start3A_169, %dma_start3A_170] : memref<32x64x32xf32, #tpu.memory_space<vmem>> -> memref<1x64x32xf32, #tpu.memory_space<vmem>>
    %dma_start3A_172 = tpu.memref_squeeze %dma_start3A_171 : memref<1x64x32xf32, #tpu.memory_space<vmem>> -> memref<64x32xf32, #tpu.memory_space<vmem>>
    tpu.enqueue_dma source(%arg3 : memref<64x32xf32, #tpu.memory_space<hbm>>) target(%dma_start3A_172 : memref<64x32xf32, #tpu.memory_space<vmem>>) target_semaphore(%arg6 : memref<!tpu.dma_semaphore, #tpu.memory_space<semaphore_mem>>)
    %dma_start3A_173 = arith.constant 19 : i32
    %dma_start3A_174 = arith.constant 0 : i32
    %dma_start3A_175 = arith.constant 0 : i32
    %dma_start3A_176 = tpu.memref_slice %arg5[%dma_start3A_173, %dma_start3A_174, %dma_start3A_175] : memref<32x64x32xf32, #tpu.memory_space<vmem>> -> memref<1x64x32xf32, #tpu.memory_space<vmem>>
    %dma_start3A_177 = tpu.memref_squeeze %dma_start3A_176 : memref<1x64x32xf32, #tpu.memory_space<vmem>> -> memref<64x32xf32, #tpu.memory_space<vmem>>
    %dma_start3A_178 = arith.constant 0 : i32
    %dma_start3A_179 = arith.constant 0 : i32
    %dma_start3A_180 = tpu.memref_slice %arg5[%dma_start3A_173, %dma_start3A_178, %dma_start3A_179] : memref<32x64x32xf32, #tpu.memory_space<vmem>> -> memref<1x64x32xf32, #tpu.memory_space<vmem>>
    %dma_start3A_181 = tpu.memref_squeeze %dma_start3A_180 : memref<1x64x32xf32, #tpu.memory_space<vmem>> -> memref<64x32xf32, #tpu.memory_space<vmem>>
    tpu.enqueue_dma source(%arg3 : memref<64x32xf32, #tpu.memory_space<hbm>>) target(%dma_start3A_181 : memref<64x32xf32, #tpu.memory_space<vmem>>) target_semaphore(%arg6 : memref<!tpu.dma_semaphore, #tpu.memory_space<semaphore_mem>>)
    %dma_start3A_182 = arith.constant 20 : i32
    %dma_start3A_183 = arith.constant 0 : i32
    %dma_start3A_184 = arith.constant 0 : i32
    %dma_start3A_185 = tpu.memref_slice %arg5[%dma_start3A_182, %dma_start3A_183, %dma_start3A_184] : memref<32x64x32xf32, #tpu.memory_space<vmem>> -> memref<1x64x32xf32, #tpu.memory_space<vmem>>
    %dma_start3A_186 = tpu.memref_squeeze %dma_start3A_185 : memref<1x64x32xf32, #tpu.memory_space<vmem>> -> memref<64x32xf32, #tpu.memory_space<vmem>>
    %dma_start3A_187 = arith.constant 0 : i32
    %dma_start3A_188 = arith.constant 0 : i32
    %dma_start3A_189 = tpu.memref_slice %arg5[%dma_start3A_182, %dma_start3A_187, %dma_start3A_188] : memref<32x64x32xf32, #tpu.memory_space<vmem>> -> memref<1x64x32xf32, #tpu.memory_space<vmem>>
    %dma_start3A_190 = tpu.memref_squeeze %dma_start3A_189 : memref<1x64x32xf32, #tpu.memory_space<vmem>> -> memref<64x32xf32, #tpu.memory_space<vmem>>
    tpu.enqueue_dma source(%arg3 : memref<64x32xf32, #tpu.memory_space<hbm>>) target(%dma_start3A_190 : memref<64x32xf32, #tpu.memory_space<vmem>>) target_semaphore(%arg6 : memref<!tpu.dma_semaphore, #tpu.memory_space<semaphore_mem>>)
    %dma_start3A_191 = arith.constant 21 : i32
    %dma_start3A_192 = arith.constant 0 : i32
    %dma_start3A_193 = arith.constant 0 : i32
    %dma_start3A_194 = tpu.memref_slice %arg5[%dma_start3A_191, %dma_start3A_192, %dma_start3A_193] : memref<32x64x32xf32, #tpu.memory_space<vmem>> -> memref<1x64x32xf32, #tpu.memory_space<vmem>>
    %dma_start3A_195 = tpu.memref_squeeze %dma_start3A_194 : memref<1x64x32xf32, #tpu.memory_space<vmem>> -> memref<64x32xf32, #tpu.memory_space<vmem>>
    %dma_start3A_196 = arith.constant 0 : i32
    %dma_start3A_197 = arith.constant 0 : i32
    %dma_start3A_198 = tpu.memref_slice %arg5[%dma_start3A_191, %dma_start3A_196, %dma_start3A_197] : memref<32x64x32xf32, #tpu.memory_space<vmem>> -> memref<1x64x32xf32, #tpu.memory_space<vmem>>
    %dma_start3A_199 = tpu.memref_squeeze %dma_start3A_198 : memref<1x64x32xf32, #tpu.memory_space<vmem>> -> memref<64x32xf32, #tpu.memory_space<vmem>>
    tpu.enqueue_dma source(%arg3 : memref<64x32xf32, #tpu.memory_space<hbm>>) target(%dma_start3A_199 : memref<64x32xf32, #tpu.memory_space<vmem>>) target_semaphore(%arg6 : memref<!tpu.dma_semaphore, #tpu.memory_space<semaphore_mem>>)
    %dma_start3A_200 = arith.constant 22 : i32
    %dma_start3A_201 = arith.constant 0 : i32
    %dma_start3A_202 = arith.constant 0 : i32
    %dma_start3A_203 = tpu.memref_slice %arg5[%dma_start3A_200, %dma_start3A_201, %dma_start3A_202] : memref<32x64x32xf32, #tpu.memory_space<vmem>> -> memref<1x64x32xf32, #tpu.memory_space<vmem>>
    %dma_start3A_204 = tpu.memref_squeeze %dma_start3A_203 : memref<1x64x32xf32, #tpu.memory_space<vmem>> -> memref<64x32xf32, #tpu.memory_space<vmem>>
    %dma_start3A_205 = arith.constant 0 : i32
    %dma_start3A_206 = arith.constant 0 : i32
    %dma_start3A_207 = tpu.memref_slice %arg5[%dma_start3A_200, %dma_start3A_205, %dma_start3A_206] : memref<32x64x32xf32, #tpu.memory_space<vmem>> -> memref<1x64x32xf32, #tpu.memory_space<vmem>>
    %dma_start3A_208 = tpu.memref_squeeze %dma_start3A_207 : memref<1x64x32xf32, #tpu.memory_space<vmem>> -> memref<64x32xf32, #tpu.memory_space<vmem>>
    tpu.enqueue_dma source(%arg3 : memref<64x32xf32, #tpu.memory_space<hbm>>) target(%dma_start3A_208 : memref<64x32xf32, #tpu.memory_space<vmem>>) target_semaphore(%arg6 : memref<!tpu.dma_semaphore, #tpu.memory_space<semaphore_mem>>)
    %dma_start3A_209 = arith.constant 23 : i32
    %dma_start3A_210 = arith.constant 0 : i32
    %dma_start3A_211 = arith.constant 0 : i32
    %dma_start3A_212 = tpu.memref_slice %arg5[%dma_start3A_209, %dma_start3A_210, %dma_start3A_211] : memref<32x64x32xf32, #tpu.memory_space<vmem>> -> memref<1x64x32xf32, #tpu.memory_space<vmem>>
    %dma_start3A_213 = tpu.memref_squeeze %dma_start3A_212 : memref<1x64x32xf32, #tpu.memory_space<vmem>> -> memref<64x32xf32, #tpu.memory_space<vmem>>
    %dma_start3A_214 = arith.constant 0 : i32
    %dma_start3A_215 = arith.constant 0 : i32
    %dma_start3A_216 = tpu.memref_slice %arg5[%dma_start3A_209, %dma_start3A_214, %dma_start3A_215] : memref<32x64x32xf32, #tpu.memory_space<vmem>> -> memref<1x64x32xf32, #tpu.memory_space<vmem>>
    %dma_start3A_217 = tpu.memref_squeeze %dma_start3A_216 : memref<1x64x32xf32, #tpu.memory_space<vmem>> -> memref<64x32xf32, #tpu.memory_space<vmem>>
    tpu.enqueue_dma source(%arg3 : memref<64x32xf32, #tpu.memory_space<hbm>>) target(%dma_start3A_217 : memref<64x32xf32, #tpu.memory_space<vmem>>) target_semaphore(%arg6 : memref<!tpu.dma_semaphore, #tpu.memory_space<semaphore_mem>>)
    %dma_start3A_218 = arith.constant 24 : i32
    %dma_start3A_219 = arith.constant 0 : i32
    %dma_start3A_220 = arith.constant 0 : i32
    %dma_start3A_221 = tpu.memref_slice %arg5[%dma_start3A_218, %dma_start3A_219, %dma_start3A_220] : memref<32x64x32xf32, #tpu.memory_space<vmem>> -> memref<1x64x32xf32, #tpu.memory_space<vmem>>
    %dma_start3A_222 = tpu.memref_squeeze %dma_start3A_221 : memref<1x64x32xf32, #tpu.memory_space<vmem>> -> memref<64x32xf32, #tpu.memory_space<vmem>>
    %dma_start3A_223 = arith.constant 0 : i32
    %dma_start3A_224 = arith.constant 0 : i32
    %dma_start3A_225 = tpu.memref_slice %arg5[%dma_start3A_218, %dma_start3A_223, %dma_start3A_224] : memref<32x64x32xf32, #tpu.memory_space<vmem>> -> memref<1x64x32xf32, #tpu.memory_space<vmem>>
    %dma_start3A_226 = tpu.memref_squeeze %dma_start3A_225 : memref<1x64x32xf32, #tpu.memory_space<vmem>> -> memref<64x32xf32, #tpu.memory_space<vmem>>
    tpu.enqueue_dma source(%arg3 : memref<64x32xf32, #tpu.memory_space<hbm>>) target(%dma_start3A_226 : memref<64x32xf32, #tpu.memory_space<vmem>>) target_semaphore(%arg6 : memref<!tpu.dma_semaphore, #tpu.memory_space<semaphore_mem>>)
    %dma_start3A_227 = arith.constant 25 : i32
    %dma_start3A_228 = arith.constant 0 : i32
    %dma_start3A_229 = arith.constant 0 : i32
    %dma_start3A_230 = tpu.memref_slice %arg5[%dma_start3A_227, %dma_start3A_228, %dma_start3A_229] : memref<32x64x32xf32, #tpu.memory_space<vmem>> -> memref<1x64x32xf32, #tpu.memory_space<vmem>>
    %dma_start3A_231 = tpu.memref_squeeze %dma_start3A_230 : memref<1x64x32xf32, #tpu.memory_space<vmem>> -> memref<64x32xf32, #tpu.memory_space<vmem>>
    %dma_start3A_232 = arith.constant 0 : i32
    %dma_start3A_233 = arith.constant 0 : i32
    %dma_start3A_234 = tpu.memref_slice %arg5[%dma_start3A_227, %dma_start3A_232, %dma_start3A_233] : memref<32x64x32xf32, #tpu.memory_space<vmem>> -> memref<1x64x32xf32, #tpu.memory_space<vmem>>
    %dma_start3A_235 = tpu.memref_squeeze %dma_start3A_234 : memref<1x64x32xf32, #tpu.memory_space<vmem>> -> memref<64x32xf32, #tpu.memory_space<vmem>>
    tpu.enqueue_dma source(%arg3 : memref<64x32xf32, #tpu.memory_space<hbm>>) target(%dma_start3A_235 : memref<64x32xf32, #tpu.memory_space<vmem>>) target_semaphore(%arg6 : memref<!tpu.dma_semaphore, #tpu.memory_space<semaphore_mem>>)
    %dma_start3A_236 = arith.constant 26 : i32
    %dma_start3A_237 = arith.constant 0 : i32
    %dma_start3A_238 = arith.constant 0 : i32
    %dma_start3A_239 = tpu.memref_slice %arg5[%dma_start3A_236, %dma_start3A_237, %dma_start3A_238] : memref<32x64x32xf32, #tpu.memory_space<vmem>> -> memref<1x64x32xf32, #tpu.memory_space<vmem>>
    %dma_start3A_240 = tpu.memref_squeeze %dma_start3A_239 : memref<1x64x32xf32, #tpu.memory_space<vmem>> -> memref<64x32xf32, #tpu.memory_space<vmem>>
    %dma_start3A_241 = arith.constant 0 : i32
    %dma_start3A_242 = arith.constant 0 : i32
    %dma_start3A_243 = tpu.memref_slice %arg5[%dma_start3A_236, %dma_start3A_241, %dma_start3A_242] : memref<32x64x32xf32, #tpu.memory_space<vmem>> -> memref<1x64x32xf32, #tpu.memory_space<vmem>>
    %dma_start3A_244 = tpu.memref_squeeze %dma_start3A_243 : memref<1x64x32xf32, #tpu.memory_space<vmem>> -> memref<64x32xf32, #tpu.memory_space<vmem>>
    tpu.enqueue_dma source(%arg3 : memref<64x32xf32, #tpu.memory_space<hbm>>) target(%dma_start3A_244 : memref<64x32xf32, #tpu.memory_space<vmem>>) target_semaphore(%arg6 : memref<!tpu.dma_semaphore, #tpu.memory_space<semaphore_mem>>)
    %dma_start3A_245 = arith.constant 27 : i32
    %dma_start3A_246 = arith.constant 0 : i32
    %dma_start3A_247 = arith.constant 0 : i32
    %dma_start3A_248 = tpu.memref_slice %arg5[%dma_start3A_245, %dma_start3A_246, %dma_start3A_247] : memref<32x64x32xf32, #tpu.memory_space<vmem>> -> memref<1x64x32xf32, #tpu.memory_space<vmem>>
    %dma_start3A_249 = tpu.memref_squeeze %dma_start3A_248 : memref<1x64x32xf32, #tpu.memory_space<vmem>> -> memref<64x32xf32, #tpu.memory_space<vmem>>
    %dma_start3A_250 = arith.constant 0 : i32
    %dma_start3A_251 = arith.constant 0 : i32
    %dma_start3A_252 = tpu.memref_slice %arg5[%dma_start3A_245, %dma_start3A_250, %dma_start3A_251] : memref<32x64x32xf32, #tpu.memory_space<vmem>> -> memref<1x64x32xf32, #tpu.memory_space<vmem>>
    %dma_start3A_253 = tpu.memref_squeeze %dma_start3A_252 : memref<1x64x32xf32, #tpu.memory_space<vmem>> -> memref<64x32xf32, #tpu.memory_space<vmem>>
    tpu.enqueue_dma source(%arg3 : memref<64x32xf32, #tpu.memory_space<hbm>>) target(%dma_start3A_253 : memref<64x32xf32, #tpu.memory_space<vmem>>) target_semaphore(%arg6 : memref<!tpu.dma_semaphore, #tpu.memory_space<semaphore_mem>>)
    %dma_start3A_254 = arith.constant 28 : i32
    %dma_start3A_255 = arith.constant 0 : i32
    %dma_start3A_256 = arith.constant 0 : i32
    %dma_start3A_257 = tpu.memref_slice %arg5[%dma_start3A_254, %dma_start3A_255, %dma_start3A_256] : memref<32x64x32xf32, #tpu.memory_space<vmem>> -> memref<1x64x32xf32, #tpu.memory_space<vmem>>
    %dma_start3A_258 = tpu.memref_squeeze %dma_start3A_257 : memref<1x64x32xf32, #tpu.memory_space<vmem>> -> memref<64x32xf32, #tpu.memory_space<vmem>>
    %dma_start3A_259 = arith.constant 0 : i32
    %dma_start3A_260 = arith.constant 0 : i32
    %dma_start3A_261 = tpu.memref_slice %arg5[%dma_start3A_254, %dma_start3A_259, %dma_start3A_260] : memref<32x64x32xf32, #tpu.memory_space<vmem>> -> memref<1x64x32xf32, #tpu.memory_space<vmem>>
    %dma_start3A_262 = tpu.memref_squeeze %dma_start3A_261 : memref<1x64x32xf32, #tpu.memory_space<vmem>> -> memref<64x32xf32, #tpu.memory_space<vmem>>
    tpu.enqueue_dma source(%arg3 : memref<64x32xf32, #tpu.memory_space<hbm>>) target(%dma_start3A_262 : memref<64x32xf32, #tpu.memory_space<vmem>>) target_semaphore(%arg6 : memref<!tpu.dma_semaphore, #tpu.memory_space<semaphore_mem>>)
    %dma_start3A_263 = arith.constant 29 : i32
    %dma_start3A_264 = arith.constant 0 : i32
    %dma_start3A_265 = arith.constant 0 : i32
    %dma_start3A_266 = tpu.memref_slice %arg5[%dma_start3A_263, %dma_start3A_264, %dma_start3A_265] : memref<32x64x32xf32, #tpu.memory_space<vmem>> -> memref<1x64x32xf32, #tpu.memory_space<vmem>>
    %dma_start3A_267 = tpu.memref_squeeze %dma_start3A_266 : memref<1x64x32xf32, #tpu.memory_space<vmem>> -> memref<64x32xf32, #tpu.memory_space<vmem>>
    %dma_start3A_268 = arith.constant 0 : i32
    %dma_start3A_269 = arith.constant 0 : i32
    %dma_start3A_270 = tpu.memref_slice %arg5[%dma_start3A_263, %dma_start3A_268, %dma_start3A_269] : memref<32x64x32xf32, #tpu.memory_space<vmem>> -> memref<1x64x32xf32, #tpu.memory_space<vmem>>
    %dma_start3A_271 = tpu.memref_squeeze %dma_start3A_270 : memref<1x64x32xf32, #tpu.memory_space<vmem>> -> memref<64x32xf32, #tpu.memory_space<vmem>>
    tpu.enqueue_dma source(%arg3 : memref<64x32xf32, #tpu.memory_space<hbm>>) target(%dma_start3A_271 : memref<64x32xf32, #tpu.memory_space<vmem>>) target_semaphore(%arg6 : memref<!tpu.dma_semaphore, #tpu.memory_space<semaphore_mem>>)
    %dma_start3A_272 = arith.constant 30 : i32
    %dma_start3A_273 = arith.constant 0 : i32
    %dma_start3A_274 = arith.constant 0 : i32
    %dma_start3A_275 = tpu.memref_slice %arg5[%dma_start3A_272, %dma_start3A_273, %dma_start3A_274] : memref<32x64x32xf32, #tpu.memory_space<vmem>> -> memref<1x64x32xf32, #tpu.memory_space<vmem>>
    %dma_start3A_276 = tpu.memref_squeeze %dma_start3A_275 : memref<1x64x32xf32, #tpu.memory_space<vmem>> -> memref<64x32xf32, #tpu.memory_space<vmem>>
    %dma_start3A_277 = arith.constant 0 : i32
    %dma_start3A_278 = arith.constant 0 : i32
    %dma_start3A_279 = tpu.memref_slice %arg5[%dma_start3A_272, %dma_start3A_277, %dma_start3A_278] : memref<32x64x32xf32, #tpu.memory_space<vmem>> -> memref<1x64x32xf32, #tpu.memory_space<vmem>>
    %dma_start3A_280 = tpu.memref_squeeze %dma_start3A_279 : memref<1x64x32xf32, #tpu.memory_space<vmem>> -> memref<64x32xf32, #tpu.memory_space<vmem>>
    tpu.enqueue_dma source(%arg3 : memref<64x32xf32, #tpu.memory_space<hbm>>) target(%dma_start3A_280 : memref<64x32xf32, #tpu.memory_space<vmem>>) target_semaphore(%arg6 : memref<!tpu.dma_semaphore, #tpu.memory_space<semaphore_mem>>)
    %dma_start3A_281 = arith.constant 31 : i32
    %dma_start3A_282 = arith.constant 0 : i32
    %dma_start3A_283 = arith.constant 0 : i32
    %dma_start3A_284 = tpu.memref_slice %arg5[%dma_start3A_281, %dma_start3A_282, %dma_start3A_283] : memref<32x64x32xf32, #tpu.memory_space<vmem>> -> memref<1x64x32xf32, #tpu.memory_space<vmem>>
    %dma_start3A_285 = tpu.memref_squeeze %dma_start3A_284 : memref<1x64x32xf32, #tpu.memory_space<vmem>> -> memref<64x32xf32, #tpu.memory_space<vmem>>
    %dma_start3A_286 = arith.constant 0 : i32
    %dma_start3A_287 = arith.constant 0 : i32
    %dma_start3A_288 = tpu.memref_slice %arg5[%dma_start3A_281, %dma_start3A_286, %dma_start3A_287] : memref<32x64x32xf32, #tpu.memory_space<vmem>> -> memref<1x64x32xf32, #tpu.memory_space<vmem>>
    %dma_start3A_289 = tpu.memref_squeeze %dma_start3A_288 : memref<1x64x32xf32, #tpu.memory_space<vmem>> -> memref<64x32xf32, #tpu.memory_space<vmem>>
    tpu.enqueue_dma source(%arg3 : memref<64x32xf32, #tpu.memory_space<hbm>>) target(%dma_start3A_289 : memref<64x32xf32, #tpu.memory_space<vmem>>) target_semaphore(%arg6 : memref<!tpu.dma_semaphore, #tpu.memory_space<semaphore_mem>>)
    %dma_start3A_290 = arith.constant 0 : i32
    %dma_start3A_291 = arith.constant 0 : i32
    %dma_start3A_292 = tpu.memref_slice %arg4[%mul3A_2, %dma_start3A_290, %dma_start3A_291] : memref<16384x64x160xf32, #tpu.memory_space<hbm>> -> memref<512x64x128xf32, #tpu.memory_space<hbm>>
    %dma_start3A_293 = arith.constant 0 : i32
    %dma_start3A_294 = arith.constant 0 : i32
    %dma_start3A_295 = tpu.memref_slice %arg2[%mul3A_2, %dma_start3A_293, %dma_start3A_294] : memref<16384x64x128xf32, #tpu.memory_space<hbm>> -> memref<512x64x128xf32, #tpu.memory_space<hbm>>
    tpu.enqueue_dma source(%dma_start3A_295 : memref<512x64x128xf32, #tpu.memory_space<hbm>>) target(%dma_start3A_292 : memref<512x64x128xf32, #tpu.memory_space<hbm>>) target_semaphore(%arg7 : memref<!tpu.dma_semaphore, #tpu.memory_space<semaphore_mem>>)
    %dma_wait3A = arith.constant 0 : i32
    %dma_wait3A_296 = arith.constant 0 : i32
    %dma_wait3A_297 = arith.constant 0 : i32
    %dma_wait3A_298 = tpu.memref_slice %arg5[%dma_wait3A, %dma_wait3A_296, %dma_wait3A_297] : memref<32x64x32xf32, #tpu.memory_space<vmem>> -> memref<1x64x32xf32, #tpu.memory_space<vmem>>
    %dma_wait3A_299 = tpu.memref_squeeze %dma_wait3A_298 : memref<1x64x32xf32, #tpu.memory_space<vmem>> -> memref<64x32xf32, #tpu.memory_space<vmem>>
    %dma_wait3A_300 = arith.constant 0 : i32
    %dma_wait3A_301 = arith.constant 0 : i32
    %dma_wait3A_302 = tpu.memref_slice %arg5[%dma_wait3A, %dma_wait3A_300, %dma_wait3A_301] : memref<32x64x32xf32, #tpu.memory_space<vmem>> -> memref<1x64x32xf32, #tpu.memory_space<vmem>>
    %dma_wait3A_303 = tpu.memref_squeeze %dma_wait3A_302 : memref<1x64x32xf32, #tpu.memory_space<vmem>> -> memref<64x32xf32, #tpu.memory_space<vmem>>
    tpu.wait_dma2 semaphore(%arg6 : memref<!tpu.dma_semaphore, #tpu.memory_space<semaphore_mem>>) src(%arg3 : memref<64x32xf32, #tpu.memory_space<hbm>>) dst(%dma_wait3A_303 : memref<64x32xf32, #tpu.memory_space<vmem>>)
    %dma_wait3A_304 = arith.constant 1 : i32
    %dma_wait3A_305 = arith.constant 0 : i32
    %dma_wait3A_306 = arith.constant 0 : i32
    %dma_wait3A_307 = tpu.memref_slice %arg5[%dma_wait3A_304, %dma_wait3A_305, %dma_wait3A_306] : memref<32x64x32xf32, #tpu.memory_space<vmem>> -> memref<1x64x32xf32, #tpu.memory_space<vmem>>
    %dma_wait3A_308 = tpu.memref_squeeze %dma_wait3A_307 : memref<1x64x32xf32, #tpu.memory_space<vmem>> -> memref<64x32xf32, #tpu.memory_space<vmem>>
    %dma_wait3A_309 = arith.constant 0 : i32
    %dma_wait3A_310 = arith.constant 0 : i32
    %dma_wait3A_311 = tpu.memref_slice %arg5[%dma_wait3A_304, %dma_wait3A_309, %dma_wait3A_310] : memref<32x64x32xf32, #tpu.memory_space<vmem>> -> memref<1x64x32xf32, #tpu.memory_space<vmem>>
    %dma_wait3A_312 = tpu.memref_squeeze %dma_wait3A_311 : memref<1x64x32xf32, #tpu.memory_space<vmem>> -> memref<64x32xf32, #tpu.memory_space<vmem>>
    tpu.wait_dma2 semaphore(%arg6 : memref<!tpu.dma_semaphore, #tpu.memory_space<semaphore_mem>>) src(%arg3 : memref<64x32xf32, #tpu.memory_space<hbm>>) dst(%dma_wait3A_312 : memref<64x32xf32, #tpu.memory_space<vmem>>)
    %dma_wait3A_313 = arith.constant 2 : i32
    %dma_wait3A_314 = arith.constant 0 : i32
    %dma_wait3A_315 = arith.constant 0 : i32
    %dma_wait3A_316 = tpu.memref_slice %arg5[%dma_wait3A_313, %dma_wait3A_314, %dma_wait3A_315] : memref<32x64x32xf32, #tpu.memory_space<vmem>> -> memref<1x64x32xf32, #tpu.memory_space<vmem>>
    %dma_wait3A_317 = tpu.memref_squeeze %dma_wait3A_316 : memref<1x64x32xf32, #tpu.memory_space<vmem>> -> memref<64x32xf32, #tpu.memory_space<vmem>>
    %dma_wait3A_318 = arith.constant 0 : i32
    %dma_wait3A_319 = arith.constant 0 : i32
    %dma_wait3A_320 = tpu.memref_slice %arg5[%dma_wait3A_313, %dma_wait3A_318, %dma_wait3A_319] : memref<32x64x32xf32, #tpu.memory_space<vmem>> -> memref<1x64x32xf32, #tpu.memory_space<vmem>>
    %dma_wait3A_321 = tpu.memref_squeeze %dma_wait3A_320 : memref<1x64x32xf32, #tpu.memory_space<vmem>> -> memref<64x32xf32, #tpu.memory_space<vmem>>
    tpu.wait_dma2 semaphore(%arg6 : memref<!tpu.dma_semaphore, #tpu.memory_space<semaphore_mem>>) src(%arg3 : memref<64x32xf32, #tpu.memory_space<hbm>>) dst(%dma_wait3A_321 : memref<64x32xf32, #tpu.memory_space<vmem>>)
    %dma_wait3A_322 = arith.constant 3 : i32
    %dma_wait3A_323 = arith.constant 0 : i32
    %dma_wait3A_324 = arith.constant 0 : i32
    %dma_wait3A_325 = tpu.memref_slice %arg5[%dma_wait3A_322, %dma_wait3A_323, %dma_wait3A_324] : memref<32x64x32xf32, #tpu.memory_space<vmem>> -> memref<1x64x32xf32, #tpu.memory_space<vmem>>
    %dma_wait3A_326 = tpu.memref_squeeze %dma_wait3A_325 : memref<1x64x32xf32, #tpu.memory_space<vmem>> -> memref<64x32xf32, #tpu.memory_space<vmem>>
    %dma_wait3A_327 = arith.constant 0 : i32
    %dma_wait3A_328 = arith.constant 0 : i32
    %dma_wait3A_329 = tpu.memref_slice %arg5[%dma_wait3A_322, %dma_wait3A_327, %dma_wait3A_328] : memref<32x64x32xf32, #tpu.memory_space<vmem>> -> memref<1x64x32xf32, #tpu.memory_space<vmem>>
    %dma_wait3A_330 = tpu.memref_squeeze %dma_wait3A_329 : memref<1x64x32xf32, #tpu.memory_space<vmem>> -> memref<64x32xf32, #tpu.memory_space<vmem>>
    tpu.wait_dma2 semaphore(%arg6 : memref<!tpu.dma_semaphore, #tpu.memory_space<semaphore_mem>>) src(%arg3 : memref<64x32xf32, #tpu.memory_space<hbm>>) dst(%dma_wait3A_330 : memref<64x32xf32, #tpu.memory_space<vmem>>)
    %dma_wait3A_331 = arith.constant 4 : i32
    %dma_wait3A_332 = arith.constant 0 : i32
    %dma_wait3A_333 = arith.constant 0 : i32
    %dma_wait3A_334 = tpu.memref_slice %arg5[%dma_wait3A_331, %dma_wait3A_332, %dma_wait3A_333] : memref<32x64x32xf32, #tpu.memory_space<vmem>> -> memref<1x64x32xf32, #tpu.memory_space<vmem>>
    %dma_wait3A_335 = tpu.memref_squeeze %dma_wait3A_334 : memref<1x64x32xf32, #tpu.memory_space<vmem>> -> memref<64x32xf32, #tpu.memory_space<vmem>>
    %dma_wait3A_336 = arith.constant 0 : i32
    %dma_wait3A_337 = arith.constant 0 : i32
    %dma_wait3A_338 = tpu.memref_slice %arg5[%dma_wait3A_331, %dma_wait3A_336, %dma_wait3A_337] : memref<32x64x32xf32, #tpu.memory_space<vmem>> -> memref<1x64x32xf32, #tpu.memory_space<vmem>>
    %dma_wait3A_339 = tpu.memref_squeeze %dma_wait3A_338 : memref<1x64x32xf32, #tpu.memory_space<vmem>> -> memref<64x32xf32, #tpu.memory_space<vmem>>
    tpu.wait_dma2 semaphore(%arg6 : memref<!tpu.dma_semaphore, #tpu.memory_space<semaphore_mem>>) src(%arg3 : memref<64x32xf32, #tpu.memory_space<hbm>>) dst(%dma_wait3A_339 : memref<64x32xf32, #tpu.memory_space<vmem>>)
    %dma_wait3A_340 = arith.constant 5 : i32
    %dma_wait3A_341 = arith.constant 0 : i32
    %dma_wait3A_342 = arith.constant 0 : i32
    %dma_wait3A_343 = tpu.memref_slice %arg5[%dma_wait3A_340, %dma_wait3A_341, %dma_wait3A_342] : memref<32x64x32xf32, #tpu.memory_space<vmem>> -> memref<1x64x32xf32, #tpu.memory_space<vmem>>
    %dma_wait3A_344 = tpu.memref_squeeze %dma_wait3A_343 : memref<1x64x32xf32, #tpu.memory_space<vmem>> -> memref<64x32xf32, #tpu.memory_space<vmem>>
    %dma_wait3A_345 = arith.constant 0 : i32
    %dma_wait3A_346 = arith.constant 0 : i32
    %dma_wait3A_347 = tpu.memref_slice %arg5[%dma_wait3A_340, %dma_wait3A_345, %dma_wait3A_346] : memref<32x64x32xf32, #tpu.memory_space<vmem>> -> memref<1x64x32xf32, #tpu.memory_space<vmem>>
    %dma_wait3A_348 = tpu.memref_squeeze %dma_wait3A_347 : memref<1x64x32xf32, #tpu.memory_space<vmem>> -> memref<64x32xf32, #tpu.memory_space<vmem>>
    tpu.wait_dma2 semaphore(%arg6 : memref<!tpu.dma_semaphore, #tpu.memory_space<semaphore_mem>>) src(%arg3 : memref<64x32xf32, #tpu.memory_space<hbm>>) dst(%dma_wait3A_348 : memref<64x32xf32, #tpu.memory_space<vmem>>)
    %dma_wait3A_349 = arith.constant 6 : i32
    %dma_wait3A_350 = arith.constant 0 : i32
    %dma_wait3A_351 = arith.constant 0 : i32
    %dma_wait3A_352 = tpu.memref_slice %arg5[%dma_wait3A_349, %dma_wait3A_350, %dma_wait3A_351] : memref<32x64x32xf32, #tpu.memory_space<vmem>> -> memref<1x64x32xf32, #tpu.memory_space<vmem>>
    %dma_wait3A_353 = tpu.memref_squeeze %dma_wait3A_352 : memref<1x64x32xf32, #tpu.memory_space<vmem>> -> memref<64x32xf32, #tpu.memory_space<vmem>>
    %dma_wait3A_354 = arith.constant 0 : i32
    %dma_wait3A_355 = arith.constant 0 : i32
    %dma_wait3A_356 = tpu.memref_slice %arg5[%dma_wait3A_349, %dma_wait3A_354, %dma_wait3A_355] : memref<32x64x32xf32, #tpu.memory_space<vmem>> -> memref<1x64x32xf32, #tpu.memory_space<vmem>>
    %dma_wait3A_357 = tpu.memref_squeeze %dma_wait3A_356 : memref<1x64x32xf32, #tpu.memory_space<vmem>> -> memref<64x32xf32, #tpu.memory_space<vmem>>
    tpu.wait_dma2 semaphore(%arg6 : memref<!tpu.dma_semaphore, #tpu.memory_space<semaphore_mem>>) src(%arg3 : memref<64x32xf32, #tpu.memory_space<hbm>>) dst(%dma_wait3A_357 : memref<64x32xf32, #tpu.memory_space<vmem>>)
    %dma_wait3A_358 = arith.constant 7 : i32
    %dma_wait3A_359 = arith.constant 0 : i32
    %dma_wait3A_360 = arith.constant 0 : i32
    %dma_wait3A_361 = tpu.memref_slice %arg5[%dma_wait3A_358, %dma_wait3A_359, %dma_wait3A_360] : memref<32x64x32xf32, #tpu.memory_space<vmem>> -> memref<1x64x32xf32, #tpu.memory_space<vmem>>
    %dma_wait3A_362 = tpu.memref_squeeze %dma_wait3A_361 : memref<1x64x32xf32, #tpu.memory_space<vmem>> -> memref<64x32xf32, #tpu.memory_space<vmem>>
    %dma_wait3A_363 = arith.constant 0 : i32
    %dma_wait3A_364 = arith.constant 0 : i32
    %dma_wait3A_365 = tpu.memref_slice %arg5[%dma_wait3A_358, %dma_wait3A_363, %dma_wait3A_364] : memref<32x64x32xf32, #tpu.memory_space<vmem>> -> memref<1x64x32xf32, #tpu.memory_space<vmem>>
    %dma_wait3A_366 = tpu.memref_squeeze %dma_wait3A_365 : memref<1x64x32xf32, #tpu.memory_space<vmem>> -> memref<64x32xf32, #tpu.memory_space<vmem>>
    tpu.wait_dma2 semaphore(%arg6 : memref<!tpu.dma_semaphore, #tpu.memory_space<semaphore_mem>>) src(%arg3 : memref<64x32xf32, #tpu.memory_space<hbm>>) dst(%dma_wait3A_366 : memref<64x32xf32, #tpu.memory_space<vmem>>)
    %dma_wait3A_367 = arith.constant 8 : i32
    %dma_wait3A_368 = arith.constant 0 : i32
    %dma_wait3A_369 = arith.constant 0 : i32
    %dma_wait3A_370 = tpu.memref_slice %arg5[%dma_wait3A_367, %dma_wait3A_368, %dma_wait3A_369] : memref<32x64x32xf32, #tpu.memory_space<vmem>> -> memref<1x64x32xf32, #tpu.memory_space<vmem>>
    %dma_wait3A_371 = tpu.memref_squeeze %dma_wait3A_370 : memref<1x64x32xf32, #tpu.memory_space<vmem>> -> memref<64x32xf32, #tpu.memory_space<vmem>>
    %dma_wait3A_372 = arith.constant 0 : i32
    %dma_wait3A_373 = arith.constant 0 : i32
    %dma_wait3A_374 = tpu.memref_slice %arg5[%dma_wait3A_367, %dma_wait3A_372, %dma_wait3A_373] : memref<32x64x32xf32, #tpu.memory_space<vmem>> -> memref<1x64x32xf32, #tpu.memory_space<vmem>>
    %dma_wait3A_375 = tpu.memref_squeeze %dma_wait3A_374 : memref<1x64x32xf32, #tpu.memory_space<vmem>> -> memref<64x32xf32, #tpu.memory_space<vmem>>
    tpu.wait_dma2 semaphore(%arg6 : memref<!tpu.dma_semaphore, #tpu.memory_space<semaphore_mem>>) src(%arg3 : memref<64x32xf32, #tpu.memory_space<hbm>>) dst(%dma_wait3A_375 : memref<64x32xf32, #tpu.memory_space<vmem>>)
    %dma_wait3A_376 = arith.constant 9 : i32
    %dma_wait3A_377 = arith.constant 0 : i32
    %dma_wait3A_378 = arith.constant 0 : i32
    %dma_wait3A_379 = tpu.memref_slice %arg5[%dma_wait3A_376, %dma_wait3A_377, %dma_wait3A_378] : memref<32x64x32xf32, #tpu.memory_space<vmem>> -> memref<1x64x32xf32, #tpu.memory_space<vmem>>
    %dma_wait3A_380 = tpu.memref_squeeze %dma_wait3A_379 : memref<1x64x32xf32, #tpu.memory_space<vmem>> -> memref<64x32xf32, #tpu.memory_space<vmem>>
    %dma_wait3A_381 = arith.constant 0 : i32
    %dma_wait3A_382 = arith.constant 0 : i32
    %dma_wait3A_383 = tpu.memref_slice %arg5[%dma_wait3A_376, %dma_wait3A_381, %dma_wait3A_382] : memref<32x64x32xf32, #tpu.memory_space<vmem>> -> memref<1x64x32xf32, #tpu.memory_space<vmem>>
    %dma_wait3A_384 = tpu.memref_squeeze %dma_wait3A_383 : memref<1x64x32xf32, #tpu.memory_space<vmem>> -> memref<64x32xf32, #tpu.memory_space<vmem>>
    tpu.wait_dma2 semaphore(%arg6 : memref<!tpu.dma_semaphore, #tpu.memory_space<semaphore_mem>>) src(%arg3 : memref<64x32xf32, #tpu.memory_space<hbm>>) dst(%dma_wait3A_384 : memref<64x32xf32, #tpu.memory_space<vmem>>)
    %dma_wait3A_385 = arith.constant 10 : i32
    %dma_wait3A_386 = arith.constant 0 : i32
    %dma_wait3A_387 = arith.constant 0 : i32
    %dma_wait3A_388 = tpu.memref_slice %arg5[%dma_wait3A_385, %dma_wait3A_386, %dma_wait3A_387] : memref<32x64x32xf32, #tpu.memory_space<vmem>> -> memref<1x64x32xf32, #tpu.memory_space<vmem>>
    %dma_wait3A_389 = tpu.memref_squeeze %dma_wait3A_388 : memref<1x64x32xf32, #tpu.memory_space<vmem>> -> memref<64x32xf32, #tpu.memory_space<vmem>>
    %dma_wait3A_390 = arith.constant 0 : i32
    %dma_wait3A_391 = arith.constant 0 : i32
    %dma_wait3A_392 = tpu.memref_slice %arg5[%dma_wait3A_385, %dma_wait3A_390, %dma_wait3A_391] : memref<32x64x32xf32, #tpu.memory_space<vmem>> -> memref<1x64x32xf32, #tpu.memory_space<vmem>>
    %dma_wait3A_393 = tpu.memref_squeeze %dma_wait3A_392 : memref<1x64x32xf32, #tpu.memory_space<vmem>> -> memref<64x32xf32, #tpu.memory_space<vmem>>
    tpu.wait_dma2 semaphore(%arg6 : memref<!tpu.dma_semaphore, #tpu.memory_space<semaphore_mem>>) src(%arg3 : memref<64x32xf32, #tpu.memory_space<hbm>>) dst(%dma_wait3A_393 : memref<64x32xf32, #tpu.memory_space<vmem>>)
    %dma_wait3A_394 = arith.constant 11 : i32
    %dma_wait3A_395 = arith.constant 0 : i32
    %dma_wait3A_396 = arith.constant 0 : i32
    %dma_wait3A_397 = tpu.memref_slice %arg5[%dma_wait3A_394, %dma_wait3A_395, %dma_wait3A_396] : memref<32x64x32xf32, #tpu.memory_space<vmem>> -> memref<1x64x32xf32, #tpu.memory_space<vmem>>
    %dma_wait3A_398 = tpu.memref_squeeze %dma_wait3A_397 : memref<1x64x32xf32, #tpu.memory_space<vmem>> -> memref<64x32xf32, #tpu.memory_space<vmem>>
    %dma_wait3A_399 = arith.constant 0 : i32
    %dma_wait3A_400 = arith.constant 0 : i32
    %dma_wait3A_401 = tpu.memref_slice %arg5[%dma_wait3A_394, %dma_wait3A_399, %dma_wait3A_400] : memref<32x64x32xf32, #tpu.memory_space<vmem>> -> memref<1x64x32xf32, #tpu.memory_space<vmem>>
    %dma_wait3A_402 = tpu.memref_squeeze %dma_wait3A_401 : memref<1x64x32xf32, #tpu.memory_space<vmem>> -> memref<64x32xf32, #tpu.memory_space<vmem>>
    tpu.wait_dma2 semaphore(%arg6 : memref<!tpu.dma_semaphore, #tpu.memory_space<semaphore_mem>>) src(%arg3 : memref<64x32xf32, #tpu.memory_space<hbm>>) dst(%dma_wait3A_402 : memref<64x32xf32, #tpu.memory_space<vmem>>)
    %dma_wait3A_403 = arith.constant 12 : i32
    %dma_wait3A_404 = arith.constant 0 : i32
    %dma_wait3A_405 = arith.constant 0 : i32
    %dma_wait3A_406 = tpu.memref_slice %arg5[%dma_wait3A_403, %dma_wait3A_404, %dma_wait3A_405] : memref<32x64x32xf32, #tpu.memory_space<vmem>> -> memref<1x64x32xf32, #tpu.memory_space<vmem>>
    %dma_wait3A_407 = tpu.memref_squeeze %dma_wait3A_406 : memref<1x64x32xf32, #tpu.memory_space<vmem>> -> memref<64x32xf32, #tpu.memory_space<vmem>>
    %dma_wait3A_408 = arith.constant 0 : i32
    %dma_wait3A_409 = arith.constant 0 : i32
    %dma_wait3A_410 = tpu.memref_slice %arg5[%dma_wait3A_403, %dma_wait3A_408, %dma_wait3A_409] : memref<32x64x32xf32, #tpu.memory_space<vmem>> -> memref<1x64x32xf32, #tpu.memory_space<vmem>>
    %dma_wait3A_411 = tpu.memref_squeeze %dma_wait3A_410 : memref<1x64x32xf32, #tpu.memory_space<vmem>> -> memref<64x32xf32, #tpu.memory_space<vmem>>
    tpu.wait_dma2 semaphore(%arg6 : memref<!tpu.dma_semaphore, #tpu.memory_space<semaphore_mem>>) src(%arg3 : memref<64x32xf32, #tpu.memory_space<hbm>>) dst(%dma_wait3A_411 : memref<64x32xf32, #tpu.memory_space<vmem>>)
    %dma_wait3A_412 = arith.constant 13 : i32
    %dma_wait3A_413 = arith.constant 0 : i32
    %dma_wait3A_414 = arith.constant 0 : i32
    %dma_wait3A_415 = tpu.memref_slice %arg5[%dma_wait3A_412, %dma_wait3A_413, %dma_wait3A_414] : memref<32x64x32xf32, #tpu.memory_space<vmem>> -> memref<1x64x32xf32, #tpu.memory_space<vmem>>
    %dma_wait3A_416 = tpu.memref_squeeze %dma_wait3A_415 : memref<1x64x32xf32, #tpu.memory_space<vmem>> -> memref<64x32xf32, #tpu.memory_space<vmem>>
    %dma_wait3A_417 = arith.constant 0 : i32
    %dma_wait3A_418 = arith.constant 0 : i32
    %dma_wait3A_419 = tpu.memref_slice %arg5[%dma_wait3A_412, %dma_wait3A_417, %dma_wait3A_418] : memref<32x64x32xf32, #tpu.memory_space<vmem>> -> memref<1x64x32xf32, #tpu.memory_space<vmem>>
    %dma_wait3A_420 = tpu.memref_squeeze %dma_wait3A_419 : memref<1x64x32xf32, #tpu.memory_space<vmem>> -> memref<64x32xf32, #tpu.memory_space<vmem>>
    tpu.wait_dma2 semaphore(%arg6 : memref<!tpu.dma_semaphore, #tpu.memory_space<semaphore_mem>>) src(%arg3 : memref<64x32xf32, #tpu.memory_space<hbm>>) dst(%dma_wait3A_420 : memref<64x32xf32, #tpu.memory_space<vmem>>)
    %dma_wait3A_421 = arith.constant 14 : i32
    %dma_wait3A_422 = arith.constant 0 : i32
    %dma_wait3A_423 = arith.constant 0 : i32
    %dma_wait3A_424 = tpu.memref_slice %arg5[%dma_wait3A_421, %dma_wait3A_422, %dma_wait3A_423] : memref<32x64x32xf32, #tpu.memory_space<vmem>> -> memref<1x64x32xf32, #tpu.memory_space<vmem>>
    %dma_wait3A_425 = tpu.memref_squeeze %dma_wait3A_424 : memref<1x64x32xf32, #tpu.memory_space<vmem>> -> memref<64x32xf32, #tpu.memory_space<vmem>>
    %dma_wait3A_426 = arith.constant 0 : i32
    %dma_wait3A_427 = arith.constant 0 : i32
    %dma_wait3A_428 = tpu.memref_slice %arg5[%dma_wait3A_421, %dma_wait3A_426, %dma_wait3A_427] : memref<32x64x32xf32, #tpu.memory_space<vmem>> -> memref<1x64x32xf32, #tpu.memory_space<vmem>>
    %dma_wait3A_429 = tpu.memref_squeeze %dma_wait3A_428 : memref<1x64x32xf32, #tpu.memory_space<vmem>> -> memref<64x32xf32, #tpu.memory_space<vmem>>
    tpu.wait_dma2 semaphore(%arg6 : memref<!tpu.dma_semaphore, #tpu.memory_space<semaphore_mem>>) src(%arg3 : memref<64x32xf32, #tpu.memory_space<hbm>>) dst(%dma_wait3A_429 : memref<64x32xf32, #tpu.memory_space<vmem>>)
    %dma_wait3A_430 = arith.constant 15 : i32
    %dma_wait3A_431 = arith.constant 0 : i32
    %dma_wait3A_432 = arith.constant 0 : i32
    %dma_wait3A_433 = tpu.memref_slice %arg5[%dma_wait3A_430, %dma_wait3A_431, %dma_wait3A_432] : memref<32x64x32xf32, #tpu.memory_space<vmem>> -> memref<1x64x32xf32, #tpu.memory_space<vmem>>
    %dma_wait3A_434 = tpu.memref_squeeze %dma_wait3A_433 : memref<1x64x32xf32, #tpu.memory_space<vmem>> -> memref<64x32xf32, #tpu.memory_space<vmem>>
    %dma_wait3A_435 = arith.constant 0 : i32
    %dma_wait3A_436 = arith.constant 0 : i32
    %dma_wait3A_437 = tpu.memref_slice %arg5[%dma_wait3A_430, %dma_wait3A_435, %dma_wait3A_436] : memref<32x64x32xf32, #tpu.memory_space<vmem>> -> memref<1x64x32xf32, #tpu.memory_space<vmem>>
    %dma_wait3A_438 = tpu.memref_squeeze %dma_wait3A_437 : memref<1x64x32xf32, #tpu.memory_space<vmem>> -> memref<64x32xf32, #tpu.memory_space<vmem>>
    tpu.wait_dma2 semaphore(%arg6 : memref<!tpu.dma_semaphore, #tpu.memory_space<semaphore_mem>>) src(%arg3 : memref<64x32xf32, #tpu.memory_space<hbm>>) dst(%dma_wait3A_438 : memref<64x32xf32, #tpu.memory_space<vmem>>)
    %dma_wait3A_439 = arith.constant 16 : i32
    %dma_wait3A_440 = arith.constant 0 : i32
    %dma_wait3A_441 = arith.constant 0 : i32
    %dma_wait3A_442 = tpu.memref_slice %arg5[%dma_wait3A_439, %dma_wait3A_440, %dma_wait3A_441] : memref<32x64x32xf32, #tpu.memory_space<vmem>> -> memref<1x64x32xf32, #tpu.memory_space<vmem>>
    %dma_wait3A_443 = tpu.memref_squeeze %dma_wait3A_442 : memref<1x64x32xf32, #tpu.memory_space<vmem>> -> memref<64x32xf32, #tpu.memory_space<vmem>>
    %dma_wait3A_444 = arith.constant 0 : i32
    %dma_wait3A_445 = arith.constant 0 : i32
    %dma_wait3A_446 = tpu.memref_slice %arg5[%dma_wait3A_439, %dma_wait3A_444, %dma_wait3A_445] : memref<32x64x32xf32, #tpu.memory_space<vmem>> -> memref<1x64x32xf32, #tpu.memory_space<vmem>>
    %dma_wait3A_447 = tpu.memref_squeeze %dma_wait3A_446 : memref<1x64x32xf32, #tpu.memory_space<vmem>> -> memref<64x32xf32, #tpu.memory_space<vmem>>
    tpu.wait_dma2 semaphore(%arg6 : memref<!tpu.dma_semaphore, #tpu.memory_space<semaphore_mem>>) src(%arg3 : memref<64x32xf32, #tpu.memory_space<hbm>>) dst(%dma_wait3A_447 : memref<64x32xf32, #tpu.memory_space<vmem>>)
    %dma_wait3A_448 = arith.constant 17 : i32
    %dma_wait3A_449 = arith.constant 0 : i32
    %dma_wait3A_450 = arith.constant 0 : i32
    %dma_wait3A_451 = tpu.memref_slice %arg5[%dma_wait3A_448, %dma_wait3A_449, %dma_wait3A_450] : memref<32x64x32xf32, #tpu.memory_space<vmem>> -> memref<1x64x32xf32, #tpu.memory_space<vmem>>
    %dma_wait3A_452 = tpu.memref_squeeze %dma_wait3A_451 : memref<1x64x32xf32, #tpu.memory_space<vmem>> -> memref<64x32xf32, #tpu.memory_space<vmem>>
    %dma_wait3A_453 = arith.constant 0 : i32
    %dma_wait3A_454 = arith.constant 0 : i32
    %dma_wait3A_455 = tpu.memref_slice %arg5[%dma_wait3A_448, %dma_wait3A_453, %dma_wait3A_454] : memref<32x64x32xf32, #tpu.memory_space<vmem>> -> memref<1x64x32xf32, #tpu.memory_space<vmem>>
    %dma_wait3A_456 = tpu.memref_squeeze %dma_wait3A_455 : memref<1x64x32xf32, #tpu.memory_space<vmem>> -> memref<64x32xf32, #tpu.memory_space<vmem>>
    tpu.wait_dma2 semaphore(%arg6 : memref<!tpu.dma_semaphore, #tpu.memory_space<semaphore_mem>>) src(%arg3 : memref<64x32xf32, #tpu.memory_space<hbm>>) dst(%dma_wait3A_456 : memref<64x32xf32, #tpu.memory_space<vmem>>)
    %dma_wait3A_457 = arith.constant 18 : i32
    %dma_wait3A_458 = arith.constant 0 : i32
    %dma_wait3A_459 = arith.constant 0 : i32
    %dma_wait3A_460 = tpu.memref_slice %arg5[%dma_wait3A_457, %dma_wait3A_458, %dma_wait3A_459] : memref<32x64x32xf32, #tpu.memory_space<vmem>> -> memref<1x64x32xf32, #tpu.memory_space<vmem>>
    %dma_wait3A_461 = tpu.memref_squeeze %dma_wait3A_460 : memref<1x64x32xf32, #tpu.memory_space<vmem>> -> memref<64x32xf32, #tpu.memory_space<vmem>>
    %dma_wait3A_462 = arith.constant 0 : i32
    %dma_wait3A_463 = arith.constant 0 : i32
    %dma_wait3A_464 = tpu.memref_slice %arg5[%dma_wait3A_457, %dma_wait3A_462, %dma_wait3A_463] : memref<32x64x32xf32, #tpu.memory_space<vmem>> -> memref<1x64x32xf32, #tpu.memory_space<vmem>>
    %dma_wait3A_465 = tpu.memref_squeeze %dma_wait3A_464 : memref<1x64x32xf32, #tpu.memory_space<vmem>> -> memref<64x32xf32, #tpu.memory_space<vmem>>
    tpu.wait_dma2 semaphore(%arg6 : memref<!tpu.dma_semaphore, #tpu.memory_space<semaphore_mem>>) src(%arg3 : memref<64x32xf32, #tpu.memory_space<hbm>>) dst(%dma_wait3A_465 : memref<64x32xf32, #tpu.memory_space<vmem>>)
    %dma_wait3A_466 = arith.constant 19 : i32
    %dma_wait3A_467 = arith.constant 0 : i32
    %dma_wait3A_468 = arith.constant 0 : i32
    %dma_wait3A_469 = tpu.memref_slice %arg5[%dma_wait3A_466, %dma_wait3A_467, %dma_wait3A_468] : memref<32x64x32xf32, #tpu.memory_space<vmem>> -> memref<1x64x32xf32, #tpu.memory_space<vmem>>
    %dma_wait3A_470 = tpu.memref_squeeze %dma_wait3A_469 : memref<1x64x32xf32, #tpu.memory_space<vmem>> -> memref<64x32xf32, #tpu.memory_space<vmem>>
    %dma_wait3A_471 = arith.constant 0 : i32
    %dma_wait3A_472 = arith.constant 0 : i32
    %dma_wait3A_473 = tpu.memref_slice %arg5[%dma_wait3A_466, %dma_wait3A_471, %dma_wait3A_472] : memref<32x64x32xf32, #tpu.memory_space<vmem>> -> memref<1x64x32xf32, #tpu.memory_space<vmem>>
    %dma_wait3A_474 = tpu.memref_squeeze %dma_wait3A_473 : memref<1x64x32xf32, #tpu.memory_space<vmem>> -> memref<64x32xf32, #tpu.memory_space<vmem>>
    tpu.wait_dma2 semaphore(%arg6 : memref<!tpu.dma_semaphore, #tpu.memory_space<semaphore_mem>>) src(%arg3 : memref<64x32xf32, #tpu.memory_space<hbm>>) dst(%dma_wait3A_474 : memref<64x32xf32, #tpu.memory_space<vmem>>)
    %dma_wait3A_475 = arith.constant 20 : i32
    %dma_wait3A_476 = arith.constant 0 : i32
    %dma_wait3A_477 = arith.constant 0 : i32
    %dma_wait3A_478 = tpu.memref_slice %arg5[%dma_wait3A_475, %dma_wait3A_476, %dma_wait3A_477] : memref<32x64x32xf32, #tpu.memory_space<vmem>> -> memref<1x64x32xf32, #tpu.memory_space<vmem>>
    %dma_wait3A_479 = tpu.memref_squeeze %dma_wait3A_478 : memref<1x64x32xf32, #tpu.memory_space<vmem>> -> memref<64x32xf32, #tpu.memory_space<vmem>>
    %dma_wait3A_480 = arith.constant 0 : i32
    %dma_wait3A_481 = arith.constant 0 : i32
    %dma_wait3A_482 = tpu.memref_slice %arg5[%dma_wait3A_475, %dma_wait3A_480, %dma_wait3A_481] : memref<32x64x32xf32, #tpu.memory_space<vmem>> -> memref<1x64x32xf32, #tpu.memory_space<vmem>>
    %dma_wait3A_483 = tpu.memref_squeeze %dma_wait3A_482 : memref<1x64x32xf32, #tpu.memory_space<vmem>> -> memref<64x32xf32, #tpu.memory_space<vmem>>
    tpu.wait_dma2 semaphore(%arg6 : memref<!tpu.dma_semaphore, #tpu.memory_space<semaphore_mem>>) src(%arg3 : memref<64x32xf32, #tpu.memory_space<hbm>>) dst(%dma_wait3A_483 : memref<64x32xf32, #tpu.memory_space<vmem>>)
    %dma_wait3A_484 = arith.constant 21 : i32
    %dma_wait3A_485 = arith.constant 0 : i32
    %dma_wait3A_486 = arith.constant 0 : i32
    %dma_wait3A_487 = tpu.memref_slice %arg5[%dma_wait3A_484, %dma_wait3A_485, %dma_wait3A_486] : memref<32x64x32xf32, #tpu.memory_space<vmem>> -> memref<1x64x32xf32, #tpu.memory_space<vmem>>
    %dma_wait3A_488 = tpu.memref_squeeze %dma_wait3A_487 : memref<1x64x32xf32, #tpu.memory_space<vmem>> -> memref<64x32xf32, #tpu.memory_space<vmem>>
    %dma_wait3A_489 = arith.constant 0 : i32
    %dma_wait3A_490 = arith.constant 0 : i32
    %dma_wait3A_491 = tpu.memref_slice %arg5[%dma_wait3A_484, %dma_wait3A_489, %dma_wait3A_490] : memref<32x64x32xf32, #tpu.memory_space<vmem>> -> memref<1x64x32xf32, #tpu.memory_space<vmem>>
    %dma_wait3A_492 = tpu.memref_squeeze %dma_wait3A_491 : memref<1x64x32xf32, #tpu.memory_space<vmem>> -> memref<64x32xf32, #tpu.memory_space<vmem>>
    tpu.wait_dma2 semaphore(%arg6 : memref<!tpu.dma_semaphore, #tpu.memory_space<semaphore_mem>>) src(%arg3 : memref<64x32xf32, #tpu.memory_space<hbm>>) dst(%dma_wait3A_492 : memref<64x32xf32, #tpu.memory_space<vmem>>)
    %dma_wait3A_493 = arith.constant 22 : i32
    %dma_wait3A_494 = arith.constant 0 : i32
    %dma_wait3A_495 = arith.constant 0 : i32
    %dma_wait3A_496 = tpu.memref_slice %arg5[%dma_wait3A_493, %dma_wait3A_494, %dma_wait3A_495] : memref<32x64x32xf32, #tpu.memory_space<vmem>> -> memref<1x64x32xf32, #tpu.memory_space<vmem>>
    %dma_wait3A_497 = tpu.memref_squeeze %dma_wait3A_496 : memref<1x64x32xf32, #tpu.memory_space<vmem>> -> memref<64x32xf32, #tpu.memory_space<vmem>>
    %dma_wait3A_498 = arith.constant 0 : i32
    %dma_wait3A_499 = arith.constant 0 : i32
    %dma_wait3A_500 = tpu.memref_slice %arg5[%dma_wait3A_493, %dma_wait3A_498, %dma_wait3A_499] : memref<32x64x32xf32, #tpu.memory_space<vmem>> -> memref<1x64x32xf32, #tpu.memory_space<vmem>>
    %dma_wait3A_501 = tpu.memref_squeeze %dma_wait3A_500 : memref<1x64x32xf32, #tpu.memory_space<vmem>> -> memref<64x32xf32, #tpu.memory_space<vmem>>
    tpu.wait_dma2 semaphore(%arg6 : memref<!tpu.dma_semaphore, #tpu.memory_space<semaphore_mem>>) src(%arg3 : memref<64x32xf32, #tpu.memory_space<hbm>>) dst(%dma_wait3A_501 : memref<64x32xf32, #tpu.memory_space<vmem>>)
    %dma_wait3A_502 = arith.constant 23 : i32
    %dma_wait3A_503 = arith.constant 0 : i32
    %dma_wait3A_504 = arith.constant 0 : i32
    %dma_wait3A_505 = tpu.memref_slice %arg5[%dma_wait3A_502, %dma_wait3A_503, %dma_wait3A_504] : memref<32x64x32xf32, #tpu.memory_space<vmem>> -> memref<1x64x32xf32, #tpu.memory_space<vmem>>
    %dma_wait3A_506 = tpu.memref_squeeze %dma_wait3A_505 : memref<1x64x32xf32, #tpu.memory_space<vmem>> -> memref<64x32xf32, #tpu.memory_space<vmem>>
    %dma_wait3A_507 = arith.constant 0 : i32
    %dma_wait3A_508 = arith.constant 0 : i32
    %dma_wait3A_509 = tpu.memref_slice %arg5[%dma_wait3A_502, %dma_wait3A_507, %dma_wait3A_508] : memref<32x64x32xf32, #tpu.memory_space<vmem>> -> memref<1x64x32xf32, #tpu.memory_space<vmem>>
    %dma_wait3A_510 = tpu.memref_squeeze %dma_wait3A_509 : memref<1x64x32xf32, #tpu.memory_space<vmem>> -> memref<64x32xf32, #tpu.memory_space<vmem>>
    tpu.wait_dma2 semaphore(%arg6 : memref<!tpu.dma_semaphore, #tpu.memory_space<semaphore_mem>>) src(%arg3 : memref<64x32xf32, #tpu.memory_space<hbm>>) dst(%dma_wait3A_510 : memref<64x32xf32, #tpu.memory_space<vmem>>)
    %dma_wait3A_511 = arith.constant 24 : i32
    %dma_wait3A_512 = arith.constant 0 : i32
    %dma_wait3A_513 = arith.constant 0 : i32
    %dma_wait3A_514 = tpu.memref_slice %arg5[%dma_wait3A_511, %dma_wait3A_512, %dma_wait3A_513] : memref<32x64x32xf32, #tpu.memory_space<vmem>> -> memref<1x64x32xf32, #tpu.memory_space<vmem>>
    %dma_wait3A_515 = tpu.memref_squeeze %dma_wait3A_514 : memref<1x64x32xf32, #tpu.memory_space<vmem>> -> memref<64x32xf32, #tpu.memory_space<vmem>>
    %dma_wait3A_516 = arith.constant 0 : i32
    %dma_wait3A_517 = arith.constant 0 : i32
    %dma_wait3A_518 = tpu.memref_slice %arg5[%dma_wait3A_511, %dma_wait3A_516, %dma_wait3A_517] : memref<32x64x32xf32, #tpu.memory_space<vmem>> -> memref<1x64x32xf32, #tpu.memory_space<vmem>>
    %dma_wait3A_519 = tpu.memref_squeeze %dma_wait3A_518 : memref<1x64x32xf32, #tpu.memory_space<vmem>> -> memref<64x32xf32, #tpu.memory_space<vmem>>
    tpu.wait_dma2 semaphore(%arg6 : memref<!tpu.dma_semaphore, #tpu.memory_space<semaphore_mem>>) src(%arg3 : memref<64x32xf32, #tpu.memory_space<hbm>>) dst(%dma_wait3A_519 : memref<64x32xf32, #tpu.memory_space<vmem>>)
    %dma_wait3A_520 = arith.constant 25 : i32
    %dma_wait3A_521 = arith.constant 0 : i32
    %dma_wait3A_522 = arith.constant 0 : i32
    %dma_wait3A_523 = tpu.memref_slice %arg5[%dma_wait3A_520, %dma_wait3A_521, %dma_wait3A_522] : memref<32x64x32xf32, #tpu.memory_space<vmem>> -> memref<1x64x32xf32, #tpu.memory_space<vmem>>
    %dma_wait3A_524 = tpu.memref_squeeze %dma_wait3A_523 : memref<1x64x32xf32, #tpu.memory_space<vmem>> -> memref<64x32xf32, #tpu.memory_space<vmem>>
    %dma_wait3A_525 = arith.constant 0 : i32
    %dma_wait3A_526 = arith.constant 0 : i32
    %dma_wait3A_527 = tpu.memref_slice %arg5[%dma_wait3A_520, %dma_wait3A_525, %dma_wait3A_526] : memref<32x64x32xf32, #tpu.memory_space<vmem>> -> memref<1x64x32xf32, #tpu.memory_space<vmem>>
    %dma_wait3A_528 = tpu.memref_squeeze %dma_wait3A_527 : memref<1x64x32xf32, #tpu.memory_space<vmem>> -> memref<64x32xf32, #tpu.memory_space<vmem>>
    tpu.wait_dma2 semaphore(%arg6 : memref<!tpu.dma_semaphore, #tpu.memory_space<semaphore_mem>>) src(%arg3 : memref<64x32xf32, #tpu.memory_space<hbm>>) dst(%dma_wait3A_528 : memref<64x32xf32, #tpu.memory_space<vmem>>)
    %dma_wait3A_529 = arith.constant 26 : i32
    %dma_wait3A_530 = arith.constant 0 : i32
    %dma_wait3A_531 = arith.constant 0 : i32
    %dma_wait3A_532 = tpu.memref_slice %arg5[%dma_wait3A_529, %dma_wait3A_530, %dma_wait3A_531] : memref<32x64x32xf32, #tpu.memory_space<vmem>> -> memref<1x64x32xf32, #tpu.memory_space<vmem>>
    %dma_wait3A_533 = tpu.memref_squeeze %dma_wait3A_532 : memref<1x64x32xf32, #tpu.memory_space<vmem>> -> memref<64x32xf32, #tpu.memory_space<vmem>>
    %dma_wait3A_534 = arith.constant 0 : i32
    %dma_wait3A_535 = arith.constant 0 : i32
    %dma_wait3A_536 = tpu.memref_slice %arg5[%dma_wait3A_529, %dma_wait3A_534, %dma_wait3A_535] : memref<32x64x32xf32, #tpu.memory_space<vmem>> -> memref<1x64x32xf32, #tpu.memory_space<vmem>>
    %dma_wait3A_537 = tpu.memref_squeeze %dma_wait3A_536 : memref<1x64x32xf32, #tpu.memory_space<vmem>> -> memref<64x32xf32, #tpu.memory_space<vmem>>
    tpu.wait_dma2 semaphore(%arg6 : memref<!tpu.dma_semaphore, #tpu.memory_space<semaphore_mem>>) src(%arg3 : memref<64x32xf32, #tpu.memory_space<hbm>>) dst(%dma_wait3A_537 : memref<64x32xf32, #tpu.memory_space<vmem>>)
    %dma_wait3A_538 = arith.constant 27 : i32
    %dma_wait3A_539 = arith.constant 0 : i32
    %dma_wait3A_540 = arith.constant 0 : i32
    %dma_wait3A_541 = tpu.memref_slice %arg5[%dma_wait3A_538, %dma_wait3A_539, %dma_wait3A_540] : memref<32x64x32xf32, #tpu.memory_space<vmem>> -> memref<1x64x32xf32, #tpu.memory_space<vmem>>
    %dma_wait3A_542 = tpu.memref_squeeze %dma_wait3A_541 : memref<1x64x32xf32, #tpu.memory_space<vmem>> -> memref<64x32xf32, #tpu.memory_space<vmem>>
    %dma_wait3A_543 = arith.constant 0 : i32
    %dma_wait3A_544 = arith.constant 0 : i32
    %dma_wait3A_545 = tpu.memref_slice %arg5[%dma_wait3A_538, %dma_wait3A_543, %dma_wait3A_544] : memref<32x64x32xf32, #tpu.memory_space<vmem>> -> memref<1x64x32xf32, #tpu.memory_space<vmem>>
    %dma_wait3A_546 = tpu.memref_squeeze %dma_wait3A_545 : memref<1x64x32xf32, #tpu.memory_space<vmem>> -> memref<64x32xf32, #tpu.memory_space<vmem>>
    tpu.wait_dma2 semaphore(%arg6 : memref<!tpu.dma_semaphore, #tpu.memory_space<semaphore_mem>>) src(%arg3 : memref<64x32xf32, #tpu.memory_space<hbm>>) dst(%dma_wait3A_546 : memref<64x32xf32, #tpu.memory_space<vmem>>)
    %dma_wait3A_547 = arith.constant 28 : i32
    %dma_wait3A_548 = arith.constant 0 : i32
    %dma_wait3A_549 = arith.constant 0 : i32
    %dma_wait3A_550 = tpu.memref_slice %arg5[%dma_wait3A_547, %dma_wait3A_548, %dma_wait3A_549] : memref<32x64x32xf32, #tpu.memory_space<vmem>> -> memref<1x64x32xf32, #tpu.memory_space<vmem>>
    %dma_wait3A_551 = tpu.memref_squeeze %dma_wait3A_550 : memref<1x64x32xf32, #tpu.memory_space<vmem>> -> memref<64x32xf32, #tpu.memory_space<vmem>>
    %dma_wait3A_552 = arith.constant 0 : i32
    %dma_wait3A_553 = arith.constant 0 : i32
    %dma_wait3A_554 = tpu.memref_slice %arg5[%dma_wait3A_547, %dma_wait3A_552, %dma_wait3A_553] : memref<32x64x32xf32, #tpu.memory_space<vmem>> -> memref<1x64x32xf32, #tpu.memory_space<vmem>>
    %dma_wait3A_555 = tpu.memref_squeeze %dma_wait3A_554 : memref<1x64x32xf32, #tpu.memory_space<vmem>> -> memref<64x32xf32, #tpu.memory_space<vmem>>
    tpu.wait_dma2 semaphore(%arg6 : memref<!tpu.dma_semaphore, #tpu.memory_space<semaphore_mem>>) src(%arg3 : memref<64x32xf32, #tpu.memory_space<hbm>>) dst(%dma_wait3A_555 : memref<64x32xf32, #tpu.memory_space<vmem>>)
    %dma_wait3A_556 = arith.constant 29 : i32
    %dma_wait3A_557 = arith.constant 0 : i32
    %dma_wait3A_558 = arith.constant 0 : i32
    %dma_wait3A_559 = tpu.memref_slice %arg5[%dma_wait3A_556, %dma_wait3A_557, %dma_wait3A_558] : memref<32x64x32xf32, #tpu.memory_space<vmem>> -> memref<1x64x32xf32, #tpu.memory_space<vmem>>
    %dma_wait3A_560 = tpu.memref_squeeze %dma_wait3A_559 : memref<1x64x32xf32, #tpu.memory_space<vmem>> -> memref<64x32xf32, #tpu.memory_space<vmem>>
    %dma_wait3A_561 = arith.constant 0 : i32
    %dma_wait3A_562 = arith.constant 0 : i32
    %dma_wait3A_563 = tpu.memref_slice %arg5[%dma_wait3A_556, %dma_wait3A_561, %dma_wait3A_562] : memref<32x64x32xf32, #tpu.memory_space<vmem>> -> memref<1x64x32xf32, #tpu.memory_space<vmem>>
    %dma_wait3A_564 = tpu.memref_squeeze %dma_wait3A_563 : memref<1x64x32xf32, #tpu.memory_space<vmem>> -> memref<64x32xf32, #tpu.memory_space<vmem>>
    tpu.wait_dma2 semaphore(%arg6 : memref<!tpu.dma_semaphore, #tpu.memory_space<semaphore_mem>>) src(%arg3 : memref<64x32xf32, #tpu.memory_space<hbm>>) dst(%dma_wait3A_564 : memref<64x32xf32, #tpu.memory_space<vmem>>)
    %dma_wait3A_565 = arith.constant 30 : i32
    %dma_wait3A_566 = arith.constant 0 : i32
    %dma_wait3A_567 = arith.constant 0 : i32
    %dma_wait3A_568 = tpu.memref_slice %arg5[%dma_wait3A_565, %dma_wait3A_566, %dma_wait3A_567] : memref<32x64x32xf32, #tpu.memory_space<vmem>> -> memref<1x64x32xf32, #tpu.memory_space<vmem>>
    %dma_wait3A_569 = tpu.memref_squeeze %dma_wait3A_568 : memref<1x64x32xf32, #tpu.memory_space<vmem>> -> memref<64x32xf32, #tpu.memory_space<vmem>>
    %dma_wait3A_570 = arith.constant 0 : i32
    %dma_wait3A_571 = arith.constant 0 : i32
    %dma_wait3A_572 = tpu.memref_slice %arg5[%dma_wait3A_565, %dma_wait3A_570, %dma_wait3A_571] : memref<32x64x32xf32, #tpu.memory_space<vmem>> -> memref<1x64x32xf32, #tpu.memory_space<vmem>>
    %dma_wait3A_573 = tpu.memref_squeeze %dma_wait3A_572 : memref<1x64x32xf32, #tpu.memory_space<vmem>> -> memref<64x32xf32, #tpu.memory_space<vmem>>
    tpu.wait_dma2 semaphore(%arg6 : memref<!tpu.dma_semaphore, #tpu.memory_space<semaphore_mem>>) src(%arg3 : memref<64x32xf32, #tpu.memory_space<hbm>>) dst(%dma_wait3A_573 : memref<64x32xf32, #tpu.memory_space<vmem>>)
    %dma_wait3A_574 = arith.constant 31 : i32
    %dma_wait3A_575 = arith.constant 0 : i32
    %dma_wait3A_576 = arith.constant 0 : i32
    %dma_wait3A_577 = tpu.memref_slice %arg5[%dma_wait3A_574, %dma_wait3A_575, %dma_wait3A_576] : memref<32x64x32xf32, #tpu.memory_space<vmem>> -> memref<1x64x32xf32, #tpu.memory_space<vmem>>
    %dma_wait3A_578 = tpu.memref_squeeze %dma_wait3A_577 : memref<1x64x32xf32, #tpu.memory_space<vmem>> -> memref<64x32xf32, #tpu.memory_space<vmem>>
    %dma_wait3A_579 = arith.constant 0 : i32
    %dma_wait3A_580 = arith.constant 0 : i32
    %dma_wait3A_581 = tpu.memref_slice %arg5[%dma_wait3A_574, %dma_wait3A_579, %dma_wait3A_580] : memref<32x64x32xf32, #tpu.memory_space<vmem>> -> memref<1x64x32xf32, #tpu.memory_space<vmem>>
    %dma_wait3A_582 = tpu.memref_squeeze %dma_wait3A_581 : memref<1x64x32xf32, #tpu.memory_space<vmem>> -> memref<64x32xf32, #tpu.memory_space<vmem>>
    tpu.wait_dma2 semaphore(%arg6 : memref<!tpu.dma_semaphore, #tpu.memory_space<semaphore_mem>>) src(%arg3 : memref<64x32xf32, #tpu.memory_space<hbm>>) dst(%dma_wait3A_582 : memref<64x32xf32, #tpu.memory_space<vmem>>)
    %add3A_583 = arith.constant 0 : i32
    %add3A_584 = arith.addi %mul3A_2, %add3A_583 : i32
    %dma_start3A_585 = arith.constant 0 : i32
    %dma_start3A_586 = arith.constant 128 : i32
    %dma_start3A_587 = tpu.memref_slice %arg4[%add3A_584, %dma_start3A_585, %dma_start3A_586] : memref<16384x64x160xf32, #tpu.memory_space<hbm>> -> memref<32x64x32xf32, #tpu.memory_space<hbm>>
    %dma_start3A_588 = arith.constant 0 : i32
    %dma_start3A_589 = arith.constant 128 : i32
    %dma_start3A_590 = tpu.memref_slice %arg4[%add3A_584, %dma_start3A_588, %dma_start3A_589] : memref<16384x64x160xf32, #tpu.memory_space<hbm>> -> memref<32x64x32xf32, #tpu.memory_space<hbm>>
    tpu.enqueue_dma source(%arg5 : memref<32x64x32xf32, #tpu.memory_space<vmem>>) target(%dma_start3A_590 : memref<32x64x32xf32, #tpu.memory_space<hbm>>) target_semaphore(%arg8 : memref<!tpu.dma_semaphore, #tpu.memory_space<semaphore_mem>>)
    %add3A_591 = arith.constant 32 : i32
    %add3A_592 = arith.addi %mul3A_2, %add3A_591 : i32
    %dma_start3A_593 = arith.constant 0 : i32
    %dma_start3A_594 = arith.constant 128 : i32
    %dma_start3A_595 = tpu.memref_slice %arg4[%add3A_592, %dma_start3A_593, %dma_start3A_594] : memref<16384x64x160xf32, #tpu.memory_space<hbm>> -> memref<32x64x32xf32, #tpu.memory_space<hbm>>
    %dma_start3A_596 = arith.constant 0 : i32
    %dma_start3A_597 = arith.constant 128 : i32
    %dma_start3A_598 = tpu.memref_slice %arg4[%add3A_592, %dma_start3A_596, %dma_start3A_597] : memref<16384x64x160xf32, #tpu.memory_space<hbm>> -> memref<32x64x32xf32, #tpu.memory_space<hbm>>
    tpu.enqueue_dma source(%arg5 : memref<32x64x32xf32, #tpu.memory_space<vmem>>) target(%dma_start3A_598 : memref<32x64x32xf32, #tpu.memory_space<hbm>>) target_semaphore(%arg8 : memref<!tpu.dma_semaphore, #tpu.memory_space<semaphore_mem>>)
    %add3A_599 = arith.constant 64 : i32
    %add3A_600 = arith.addi %mul3A_2, %add3A_599 : i32
    %dma_start3A_601 = arith.constant 0 : i32
    %dma_start3A_602 = arith.constant 128 : i32
    %dma_start3A_603 = tpu.memref_slice %arg4[%add3A_600, %dma_start3A_601, %dma_start3A_602] : memref<16384x64x160xf32, #tpu.memory_space<hbm>> -> memref<32x64x32xf32, #tpu.memory_space<hbm>>
    %dma_start3A_604 = arith.constant 0 : i32
    %dma_start3A_605 = arith.constant 128 : i32
    %dma_start3A_606 = tpu.memref_slice %arg4[%add3A_600, %dma_start3A_604, %dma_start3A_605] : memref<16384x64x160xf32, #tpu.memory_space<hbm>> -> memref<32x64x32xf32, #tpu.memory_space<hbm>>
    tpu.enqueue_dma source(%arg5 : memref<32x64x32xf32, #tpu.memory_space<vmem>>) target(%dma_start3A_606 : memref<32x64x32xf32, #tpu.memory_space<hbm>>) target_semaphore(%arg8 : memref<!tpu.dma_semaphore, #tpu.memory_space<semaphore_mem>>)
    %add3A_607 = arith.constant 96 : i32
    %add3A_608 = arith.addi %mul3A_2, %add3A_607 : i32
    %dma_start3A_609 = arith.constant 0 : i32
    %dma_start3A_610 = arith.constant 128 : i32
    %dma_start3A_611 = tpu.memref_slice %arg4[%add3A_608, %dma_start3A_609, %dma_start3A_610] : memref<16384x64x160xf32, #tpu.memory_space<hbm>> -> memref<32x64x32xf32, #tpu.memory_space<hbm>>
    %dma_start3A_612 = arith.constant 0 : i32
    %dma_start3A_613 = arith.constant 128 : i32
    %dma_start3A_614 = tpu.memref_slice %arg4[%add3A_608, %dma_start3A_612, %dma_start3A_613] : memref<16384x64x160xf32, #tpu.memory_space<hbm>> -> memref<32x64x32xf32, #tpu.memory_space<hbm>>
    tpu.enqueue_dma source(%arg5 : memref<32x64x32xf32, #tpu.memory_space<vmem>>) target(%dma_start3A_614 : memref<32x64x32xf32, #tpu.memory_space<hbm>>) target_semaphore(%arg8 : memref<!tpu.dma_semaphore, #tpu.memory_space<semaphore_mem>>)
    %add3A_615 = arith.constant 128 : i32
    %add3A_616 = arith.addi %mul3A_2, %add3A_615 : i32
    %dma_start3A_617 = arith.constant 0 : i32
    %dma_start3A_618 = arith.constant 128 : i32
    %dma_start3A_619 = tpu.memref_slice %arg4[%add3A_616, %dma_start3A_617, %dma_start3A_618] : memref<16384x64x160xf32, #tpu.memory_space<hbm>> -> memref<32x64x32xf32, #tpu.memory_space<hbm>>
    %dma_start3A_620 = arith.constant 0 : i32
    %dma_start3A_621 = arith.constant 128 : i32
    %dma_start3A_622 = tpu.memref_slice %arg4[%add3A_616, %dma_start3A_620, %dma_start3A_621] : memref<16384x64x160xf32, #tpu.memory_space<hbm>> -> memref<32x64x32xf32, #tpu.memory_space<hbm>>
    tpu.enqueue_dma source(%arg5 : memref<32x64x32xf32, #tpu.memory_space<vmem>>) target(%dma_start3A_622 : memref<32x64x32xf32, #tpu.memory_space<hbm>>) target_semaphore(%arg8 : memref<!tpu.dma_semaphore, #tpu.memory_space<semaphore_mem>>)
    %add3A_623 = arith.constant 160 : i32
    %add3A_624 = arith.addi %mul3A_2, %add3A_623 : i32
    %dma_start3A_625 = arith.constant 0 : i32
    %dma_start3A_626 = arith.constant 128 : i32
    %dma_start3A_627 = tpu.memref_slice %arg4[%add3A_624, %dma_start3A_625, %dma_start3A_626] : memref<16384x64x160xf32, #tpu.memory_space<hbm>> -> memref<32x64x32xf32, #tpu.memory_space<hbm>>
    %dma_start3A_628 = arith.constant 0 : i32
    %dma_start3A_629 = arith.constant 128 : i32
    %dma_start3A_630 = tpu.memref_slice %arg4[%add3A_624, %dma_start3A_628, %dma_start3A_629] : memref<16384x64x160xf32, #tpu.memory_space<hbm>> -> memref<32x64x32xf32, #tpu.memory_space<hbm>>
    tpu.enqueue_dma source(%arg5 : memref<32x64x32xf32, #tpu.memory_space<vmem>>) target(%dma_start3A_630 : memref<32x64x32xf32, #tpu.memory_space<hbm>>) target_semaphore(%arg8 : memref<!tpu.dma_semaphore, #tpu.memory_space<semaphore_mem>>)
    %add3A_631 = arith.constant 192 : i32
    %add3A_632 = arith.addi %mul3A_2, %add3A_631 : i32
    %dma_start3A_633 = arith.constant 0 : i32
    %dma_start3A_634 = arith.constant 128 : i32
    %dma_start3A_635 = tpu.memref_slice %arg4[%add3A_632, %dma_start3A_633, %dma_start3A_634] : memref<16384x64x160xf32, #tpu.memory_space<hbm>> -> memref<32x64x32xf32, #tpu.memory_space<hbm>>
    %dma_start3A_636 = arith.constant 0 : i32
    %dma_start3A_637 = arith.constant 128 : i32
    %dma_start3A_638 = tpu.memref_slice %arg4[%add3A_632, %dma_start3A_636, %dma_start3A_637] : memref<16384x64x160xf32, #tpu.memory_space<hbm>> -> memref<32x64x32xf32, #tpu.memory_space<hbm>>
    tpu.enqueue_dma source(%arg5 : memref<32x64x32xf32, #tpu.memory_space<vmem>>) target(%dma_start3A_638 : memref<32x64x32xf32, #tpu.memory_space<hbm>>) target_semaphore(%arg8 : memref<!tpu.dma_semaphore, #tpu.memory_space<semaphore_mem>>)
    %add3A_639 = arith.constant 224 : i32
    %add3A_640 = arith.addi %mul3A_2, %add3A_639 : i32
    %dma_start3A_641 = arith.constant 0 : i32
    %dma_start3A_642 = arith.constant 128 : i32
    %dma_start3A_643 = tpu.memref_slice %arg4[%add3A_640, %dma_start3A_641, %dma_start3A_642] : memref<16384x64x160xf32, #tpu.memory_space<hbm>> -> memref<32x64x32xf32, #tpu.memory_space<hbm>>
    %dma_start3A_644 = arith.constant 0 : i32
    %dma_start3A_645 = arith.constant 128 : i32
    %dma_start3A_646 = tpu.memref_slice %arg4[%add3A_640, %dma_start3A_644, %dma_start3A_645] : memref<16384x64x160xf32, #tpu.memory_space<hbm>> -> memref<32x64x32xf32, #tpu.memory_space<hbm>>
    tpu.enqueue_dma source(%arg5 : memref<32x64x32xf32, #tpu.memory_space<vmem>>) target(%dma_start3A_646 : memref<32x64x32xf32, #tpu.memory_space<hbm>>) target_semaphore(%arg8 : memref<!tpu.dma_semaphore, #tpu.memory_space<semaphore_mem>>)
    %add3A_647 = arith.constant 256 : i32
    %add3A_648 = arith.addi %mul3A_2, %add3A_647 : i32
    %dma_start3A_649 = arith.constant 0 : i32
    %dma_start3A_650 = arith.constant 128 : i32
    %dma_start3A_651 = tpu.memref_slice %arg4[%add3A_648, %dma_start3A_649, %dma_start3A_650] : memref<16384x64x160xf32, #tpu.memory_space<hbm>> -> memref<32x64x32xf32, #tpu.memory_space<hbm>>
    %dma_start3A_652 = arith.constant 0 : i32
    %dma_start3A_653 = arith.constant 128 : i32
    %dma_start3A_654 = tpu.memref_slice %arg4[%add3A_648, %dma_start3A_652, %dma_start3A_653] : memref<16384x64x160xf32, #tpu.memory_space<hbm>> -> memref<32x64x32xf32, #tpu.memory_space<hbm>>
    tpu.enqueue_dma source(%arg5 : memref<32x64x32xf32, #tpu.memory_space<vmem>>) target(%dma_start3A_654 : memref<32x64x32xf32, #tpu.memory_space<hbm>>) target_semaphore(%arg8 : memref<!tpu.dma_semaphore, #tpu.memory_space<semaphore_mem>>)
    %add3A_655 = arith.constant 288 : i32
    %add3A_656 = arith.addi %mul3A_2, %add3A_655 : i32
    %dma_start3A_657 = arith.constant 0 : i32
    %dma_start3A_658 = arith.constant 128 : i32
    %dma_start3A_659 = tpu.memref_slice %arg4[%add3A_656, %dma_start3A_657, %dma_start3A_658] : memref<16384x64x160xf32, #tpu.memory_space<hbm>> -> memref<32x64x32xf32, #tpu.memory_space<hbm>>
    %dma_start3A_660 = arith.constant 0 : i32
    %dma_start3A_661 = arith.constant 128 : i32
    %dma_start3A_662 = tpu.memref_slice %arg4[%add3A_656, %dma_start3A_660, %dma_start3A_661] : memref<16384x64x160xf32, #tpu.memory_space<hbm>> -> memref<32x64x32xf32, #tpu.memory_space<hbm>>
    tpu.enqueue_dma source(%arg5 : memref<32x64x32xf32, #tpu.memory_space<vmem>>) target(%dma_start3A_662 : memref<32x64x32xf32, #tpu.memory_space<hbm>>) target_semaphore(%arg8 : memref<!tpu.dma_semaphore, #tpu.memory_space<semaphore_mem>>)
    %add3A_663 = arith.constant 320 : i32
    %add3A_664 = arith.addi %mul3A_2, %add3A_663 : i32
    %dma_start3A_665 = arith.constant 0 : i32
    %dma_start3A_666 = arith.constant 128 : i32
    %dma_start3A_667 = tpu.memref_slice %arg4[%add3A_664, %dma_start3A_665, %dma_start3A_666] : memref<16384x64x160xf32, #tpu.memory_space<hbm>> -> memref<32x64x32xf32, #tpu.memory_space<hbm>>
    %dma_start3A_668 = arith.constant 0 : i32
    %dma_start3A_669 = arith.constant 128 : i32
    %dma_start3A_670 = tpu.memref_slice %arg4[%add3A_664, %dma_start3A_668, %dma_start3A_669] : memref<16384x64x160xf32, #tpu.memory_space<hbm>> -> memref<32x64x32xf32, #tpu.memory_space<hbm>>
    tpu.enqueue_dma source(%arg5 : memref<32x64x32xf32, #tpu.memory_space<vmem>>) target(%dma_start3A_670 : memref<32x64x32xf32, #tpu.memory_space<hbm>>) target_semaphore(%arg8 : memref<!tpu.dma_semaphore, #tpu.memory_space<semaphore_mem>>)
    %add3A_671 = arith.constant 352 : i32
    %add3A_672 = arith.addi %mul3A_2, %add3A_671 : i32
    %dma_start3A_673 = arith.constant 0 : i32
    %dma_start3A_674 = arith.constant 128 : i32
    %dma_start3A_675 = tpu.memref_slice %arg4[%add3A_672, %dma_start3A_673, %dma_start3A_674] : memref<16384x64x160xf32, #tpu.memory_space<hbm>> -> memref<32x64x32xf32, #tpu.memory_space<hbm>>
    %dma_start3A_676 = arith.constant 0 : i32
    %dma_start3A_677 = arith.constant 128 : i32
    %dma_start3A_678 = tpu.memref_slice %arg4[%add3A_672, %dma_start3A_676, %dma_start3A_677] : memref<16384x64x160xf32, #tpu.memory_space<hbm>> -> memref<32x64x32xf32, #tpu.memory_space<hbm>>
    tpu.enqueue_dma source(%arg5 : memref<32x64x32xf32, #tpu.memory_space<vmem>>) target(%dma_start3A_678 : memref<32x64x32xf32, #tpu.memory_space<hbm>>) target_semaphore(%arg8 : memref<!tpu.dma_semaphore, #tpu.memory_space<semaphore_mem>>)
    %add3A_679 = arith.constant 384 : i32
    %add3A_680 = arith.addi %mul3A_2, %add3A_679 : i32
    %dma_start3A_681 = arith.constant 0 : i32
    %dma_start3A_682 = arith.constant 128 : i32
    %dma_start3A_683 = tpu.memref_slice %arg4[%add3A_680, %dma_start3A_681, %dma_start3A_682] : memref<16384x64x160xf32, #tpu.memory_space<hbm>> -> memref<32x64x32xf32, #tpu.memory_space<hbm>>
    %dma_start3A_684 = arith.constant 0 : i32
    %dma_start3A_685 = arith.constant 128 : i32
    %dma_start3A_686 = tpu.memref_slice %arg4[%add3A_680, %dma_start3A_684, %dma_start3A_685] : memref<16384x64x160xf32, #tpu.memory_space<hbm>> -> memref<32x64x32xf32, #tpu.memory_space<hbm>>
    tpu.enqueue_dma source(%arg5 : memref<32x64x32xf32, #tpu.memory_space<vmem>>) target(%dma_start3A_686 : memref<32x64x32xf32, #tpu.memory_space<hbm>>) target_semaphore(%arg8 : memref<!tpu.dma_semaphore, #tpu.memory_space<semaphore_mem>>)
    %add3A_687 = arith.constant 416 : i32
    %add3A_688 = arith.addi %mul3A_2, %add3A_687 : i32
    %dma_start3A_689 = arith.constant 0 : i32
    %dma_start3A_690 = arith.constant 128 : i32
    %dma_start3A_691 = tpu.memref_slice %arg4[%add3A_688, %dma_start3A_689, %dma_start3A_690] : memref<16384x64x160xf32, #tpu.memory_space<hbm>> -> memref<32x64x32xf32, #tpu.memory_space<hbm>>
    %dma_start3A_692 = arith.constant 0 : i32
    %dma_start3A_693 = arith.constant 128 : i32
    %dma_start3A_694 = tpu.memref_slice %arg4[%add3A_688, %dma_start3A_692, %dma_start3A_693] : memref<16384x64x160xf32, #tpu.memory_space<hbm>> -> memref<32x64x32xf32, #tpu.memory_space<hbm>>
    tpu.enqueue_dma source(%arg5 : memref<32x64x32xf32, #tpu.memory_space<vmem>>) target(%dma_start3A_694 : memref<32x64x32xf32, #tpu.memory_space<hbm>>) target_semaphore(%arg8 : memref<!tpu.dma_semaphore, #tpu.memory_space<semaphore_mem>>)
    %add3A_695 = arith.constant 448 : i32
    %add3A_696 = arith.addi %mul3A_2, %add3A_695 : i32
    %dma_start3A_697 = arith.constant 0 : i32
    %dma_start3A_698 = arith.constant 128 : i32
    %dma_start3A_699 = tpu.memref_slice %arg4[%add3A_696, %dma_start3A_697, %dma_start3A_698] : memref<16384x64x160xf32, #tpu.memory_space<hbm>> -> memref<32x64x32xf32, #tpu.memory_space<hbm>>
    %dma_start3A_700 = arith.constant 0 : i32
    %dma_start3A_701 = arith.constant 128 : i32
    %dma_start3A_702 = tpu.memref_slice %arg4[%add3A_696, %dma_start3A_700, %dma_start3A_701] : memref<16384x64x160xf32, #tpu.memory_space<hbm>> -> memref<32x64x32xf32, #tpu.memory_space<hbm>>
    tpu.enqueue_dma source(%arg5 : memref<32x64x32xf32, #tpu.memory_space<vmem>>) target(%dma_start3A_702 : memref<32x64x32xf32, #tpu.memory_space<hbm>>) target_semaphore(%arg8 : memref<!tpu.dma_semaphore, #tpu.memory_space<semaphore_mem>>)
    %add3A_703 = arith.constant 480 : i32
    %add3A_704 = arith.addi %mul3A_2, %add3A_703 : i32
    %dma_start3A_705 = arith.constant 0 : i32
    %dma_start3A_706 = arith.constant 128 : i32
    %dma_start3A_707 = tpu.memref_slice %arg4[%add3A_704, %dma_start3A_705, %dma_start3A_706] : memref<16384x64x160xf32, #tpu.memory_space<hbm>> -> memref<32x64x32xf32, #tpu.memory_space<hbm>>
    %dma_start3A_708 = arith.constant 0 : i32
    %dma_start3A_709 = arith.constant 128 : i32
    %dma_start3A_710 = tpu.memref_slice %arg4[%add3A_704, %dma_start3A_708, %dma_start3A_709] : memref<16384x64x160xf32, #tpu.memory_space<hbm>> -> memref<32x64x32xf32, #tpu.memory_space<hbm>>
    tpu.enqueue_dma source(%arg5 : memref<32x64x32xf32, #tpu.memory_space<vmem>>) target(%dma_start3A_710 : memref<32x64x32xf32, #tpu.memory_space<hbm>>) target_semaphore(%arg8 : memref<!tpu.dma_semaphore, #tpu.memory_space<semaphore_mem>>)
    %dma_wait3A_711 = arith.constant 0 : i32
    %dma_wait3A_712 = arith.constant 0 : i32
    %dma_wait3A_713 = tpu.memref_slice %arg4[%mul3A_2, %dma_wait3A_711, %dma_wait3A_712] : memref<16384x64x160xf32, #tpu.memory_space<hbm>> -> memref<512x64x128xf32, #tpu.memory_space<hbm>>
    %dma_wait3A_714 = arith.constant 0 : i32
    %dma_wait3A_715 = arith.constant 0 : i32
    %dma_wait3A_716 = tpu.memref_slice %arg2[%mul3A_2, %dma_wait3A_714, %dma_wait3A_715] : memref<16384x64x128xf32, #tpu.memory_space<hbm>> -> memref<512x64x128xf32, #tpu.memory_space<hbm>>
    tpu.wait_dma2 semaphore(%arg7 : memref<!tpu.dma_semaphore, #tpu.memory_space<semaphore_mem>>) src(%dma_wait3A_716 : memref<512x64x128xf32, #tpu.memory_space<hbm>>) dst(%dma_wait3A_713 : memref<512x64x128xf32, #tpu.memory_space<hbm>>)
    %dma_wait3A_717 = arith.constant 0 : i32
    %dma_wait3A_718 = arith.constant 128 : i32
    %dma_wait3A_719 = tpu.memref_slice %arg4[%add3A_584, %dma_wait3A_717, %dma_wait3A_718] : memref<16384x64x160xf32, #tpu.memory_space<hbm>> -> memref<32x64x32xf32, #tpu.memory_space<hbm>>
    %dma_wait3A_720 = arith.constant 0 : i32
    %dma_wait3A_721 = arith.constant 128 : i32
    %dma_wait3A_722 = tpu.memref_slice %arg4[%add3A_584, %dma_wait3A_720, %dma_wait3A_721] : memref<16384x64x160xf32, #tpu.memory_space<hbm>> -> memref<32x64x32xf32, #tpu.memory_space<hbm>>
    tpu.wait_dma2 semaphore(%arg8 : memref<!tpu.dma_semaphore, #tpu.memory_space<semaphore_mem>>) src(%arg5 : memref<32x64x32xf32, #tpu.memory_space<vmem>>) dst(%dma_wait3A_722 : memref<32x64x32xf32, #tpu.memory_space<hbm>>)
    %dma_wait3A_723 = arith.constant 0 : i32
    %dma_wait3A_724 = arith.constant 128 : i32
    %dma_wait3A_725 = tpu.memref_slice %arg4[%add3A_592, %dma_wait3A_723, %dma_wait3A_724] : memref<16384x64x160xf32, #tpu.memory_space<hbm>> -> memref<32x64x32xf32, #tpu.memory_space<hbm>>
    %dma_wait3A_726 = arith.constant 0 : i32
    %dma_wait3A_727 = arith.constant 128 : i32
    %dma_wait3A_728 = tpu.memref_slice %arg4[%add3A_592, %dma_wait3A_726, %dma_wait3A_727] : memref<16384x64x160xf32, #tpu.memory_space<hbm>> -> memref<32x64x32xf32, #tpu.memory_space<hbm>>
    tpu.wait_dma2 semaphore(%arg8 : memref<!tpu.dma_semaphore, #tpu.memory_space<semaphore_mem>>) src(%arg5 : memref<32x64x32xf32, #tpu.memory_space<vmem>>) dst(%dma_wait3A_728 : memref<32x64x32xf32, #tpu.memory_space<hbm>>)
    %dma_wait3A_729 = arith.constant 0 : i32
    %dma_wait3A_730 = arith.constant 128 : i32
    %dma_wait3A_731 = tpu.memref_slice %arg4[%add3A_600, %dma_wait3A_729, %dma_wait3A_730] : memref<16384x64x160xf32, #tpu.memory_space<hbm>> -> memref<32x64x32xf32, #tpu.memory_space<hbm>>
    %dma_wait3A_732 = arith.constant 0 : i32
    %dma_wait3A_733 = arith.constant 128 : i32
    %dma_wait3A_734 = tpu.memref_slice %arg4[%add3A_600, %dma_wait3A_732, %dma_wait3A_733] : memref<16384x64x160xf32, #tpu.memory_space<hbm>> -> memref<32x64x32xf32, #tpu.memory_space<hbm>>
    tpu.wait_dma2 semaphore(%arg8 : memref<!tpu.dma_semaphore, #tpu.memory_space<semaphore_mem>>) src(%arg5 : memref<32x64x32xf32, #tpu.memory_space<vmem>>) dst(%dma_wait3A_734 : memref<32x64x32xf32, #tpu.memory_space<hbm>>)
    %dma_wait3A_735 = arith.constant 0 : i32
    %dma_wait3A_736 = arith.constant 128 : i32
    %dma_wait3A_737 = tpu.memref_slice %arg4[%add3A_608, %dma_wait3A_735, %dma_wait3A_736] : memref<16384x64x160xf32, #tpu.memory_space<hbm>> -> memref<32x64x32xf32, #tpu.memory_space<hbm>>
    %dma_wait3A_738 = arith.constant 0 : i32
    %dma_wait3A_739 = arith.constant 128 : i32
    %dma_wait3A_740 = tpu.memref_slice %arg4[%add3A_608, %dma_wait3A_738, %dma_wait3A_739] : memref<16384x64x160xf32, #tpu.memory_space<hbm>> -> memref<32x64x32xf32, #tpu.memory_space<hbm>>
    tpu.wait_dma2 semaphore(%arg8 : memref<!tpu.dma_semaphore, #tpu.memory_space<semaphore_mem>>) src(%arg5 : memref<32x64x32xf32, #tpu.memory_space<vmem>>) dst(%dma_wait3A_740 : memref<32x64x32xf32, #tpu.memory_space<hbm>>)
    %dma_wait3A_741 = arith.constant 0 : i32
    %dma_wait3A_742 = arith.constant 128 : i32
    %dma_wait3A_743 = tpu.memref_slice %arg4[%add3A_616, %dma_wait3A_741, %dma_wait3A_742] : memref<16384x64x160xf32, #tpu.memory_space<hbm>> -> memref<32x64x32xf32, #tpu.memory_space<hbm>>
    %dma_wait3A_744 = arith.constant 0 : i32
    %dma_wait3A_745 = arith.constant 128 : i32
    %dma_wait3A_746 = tpu.memref_slice %arg4[%add3A_616, %dma_wait3A_744, %dma_wait3A_745] : memref<16384x64x160xf32, #tpu.memory_space<hbm>> -> memref<32x64x32xf32, #tpu.memory_space<hbm>>
    tpu.wait_dma2 semaphore(%arg8 : memref<!tpu.dma_semaphore, #tpu.memory_space<semaphore_mem>>) src(%arg5 : memref<32x64x32xf32, #tpu.memory_space<vmem>>) dst(%dma_wait3A_746 : memref<32x64x32xf32, #tpu.memory_space<hbm>>)
    %dma_wait3A_747 = arith.constant 0 : i32
    %dma_wait3A_748 = arith.constant 128 : i32
    %dma_wait3A_749 = tpu.memref_slice %arg4[%add3A_624, %dma_wait3A_747, %dma_wait3A_748] : memref<16384x64x160xf32, #tpu.memory_space<hbm>> -> memref<32x64x32xf32, #tpu.memory_space<hbm>>
    %dma_wait3A_750 = arith.constant 0 : i32
    %dma_wait3A_751 = arith.constant 128 : i32
    %dma_wait3A_752 = tpu.memref_slice %arg4[%add3A_624, %dma_wait3A_750, %dma_wait3A_751] : memref<16384x64x160xf32, #tpu.memory_space<hbm>> -> memref<32x64x32xf32, #tpu.memory_space<hbm>>
    tpu.wait_dma2 semaphore(%arg8 : memref<!tpu.dma_semaphore, #tpu.memory_space<semaphore_mem>>) src(%arg5 : memref<32x64x32xf32, #tpu.memory_space<vmem>>) dst(%dma_wait3A_752 : memref<32x64x32xf32, #tpu.memory_space<hbm>>)
    %dma_wait3A_753 = arith.constant 0 : i32
    %dma_wait3A_754 = arith.constant 128 : i32
    %dma_wait3A_755 = tpu.memref_slice %arg4[%add3A_632, %dma_wait3A_753, %dma_wait3A_754] : memref<16384x64x160xf32, #tpu.memory_space<hbm>> -> memref<32x64x32xf32, #tpu.memory_space<hbm>>
    %dma_wait3A_756 = arith.constant 0 : i32
    %dma_wait3A_757 = arith.constant 128 : i32
    %dma_wait3A_758 = tpu.memref_slice %arg4[%add3A_632, %dma_wait3A_756, %dma_wait3A_757] : memref<16384x64x160xf32, #tpu.memory_space<hbm>> -> memref<32x64x32xf32, #tpu.memory_space<hbm>>
    tpu.wait_dma2 semaphore(%arg8 : memref<!tpu.dma_semaphore, #tpu.memory_space<semaphore_mem>>) src(%arg5 : memref<32x64x32xf32, #tpu.memory_space<vmem>>) dst(%dma_wait3A_758 : memref<32x64x32xf32, #tpu.memory_space<hbm>>)
    %dma_wait3A_759 = arith.constant 0 : i32
    %dma_wait3A_760 = arith.constant 128 : i32
    %dma_wait3A_761 = tpu.memref_slice %arg4[%add3A_640, %dma_wait3A_759, %dma_wait3A_760] : memref<16384x64x160xf32, #tpu.memory_space<hbm>> -> memref<32x64x32xf32, #tpu.memory_space<hbm>>
    %dma_wait3A_762 = arith.constant 0 : i32
    %dma_wait3A_763 = arith.constant 128 : i32
    %dma_wait3A_764 = tpu.memref_slice %arg4[%add3A_640, %dma_wait3A_762, %dma_wait3A_763] : memref<16384x64x160xf32, #tpu.memory_space<hbm>> -> memref<32x64x32xf32, #tpu.memory_space<hbm>>
    tpu.wait_dma2 semaphore(%arg8 : memref<!tpu.dma_semaphore, #tpu.memory_space<semaphore_mem>>) src(%arg5 : memref<32x64x32xf32, #tpu.memory_space<vmem>>) dst(%dma_wait3A_764 : memref<32x64x32xf32, #tpu.memory_space<hbm>>)
    %dma_wait3A_765 = arith.constant 0 : i32
    %dma_wait3A_766 = arith.constant 128 : i32
    %dma_wait3A_767 = tpu.memref_slice %arg4[%add3A_648, %dma_wait3A_765, %dma_wait3A_766] : memref<16384x64x160xf32, #tpu.memory_space<hbm>> -> memref<32x64x32xf32, #tpu.memory_space<hbm>>
    %dma_wait3A_768 = arith.constant 0 : i32
    %dma_wait3A_769 = arith.constant 128 : i32
    %dma_wait3A_770 = tpu.memref_slice %arg4[%add3A_648, %dma_wait3A_768, %dma_wait3A_769] : memref<16384x64x160xf32, #tpu.memory_space<hbm>> -> memref<32x64x32xf32, #tpu.memory_space<hbm>>
    tpu.wait_dma2 semaphore(%arg8 : memref<!tpu.dma_semaphore, #tpu.memory_space<semaphore_mem>>) src(%arg5 : memref<32x64x32xf32, #tpu.memory_space<vmem>>) dst(%dma_wait3A_770 : memref<32x64x32xf32, #tpu.memory_space<hbm>>)
    %dma_wait3A_771 = arith.constant 0 : i32
    %dma_wait3A_772 = arith.constant 128 : i32
    %dma_wait3A_773 = tpu.memref_slice %arg4[%add3A_656, %dma_wait3A_771, %dma_wait3A_772] : memref<16384x64x160xf32, #tpu.memory_space<hbm>> -> memref<32x64x32xf32, #tpu.memory_space<hbm>>
    %dma_wait3A_774 = arith.constant 0 : i32
    %dma_wait3A_775 = arith.constant 128 : i32
    %dma_wait3A_776 = tpu.memref_slice %arg4[%add3A_656, %dma_wait3A_774, %dma_wait3A_775] : memref<16384x64x160xf32, #tpu.memory_space<hbm>> -> memref<32x64x32xf32, #tpu.memory_space<hbm>>
    tpu.wait_dma2 semaphore(%arg8 : memref<!tpu.dma_semaphore, #tpu.memory_space<semaphore_mem>>) src(%arg5 : memref<32x64x32xf32, #tpu.memory_space<vmem>>) dst(%dma_wait3A_776 : memref<32x64x32xf32, #tpu.memory_space<hbm>>)
    %dma_wait3A_777 = arith.constant 0 : i32
    %dma_wait3A_778 = arith.constant 128 : i32
    %dma_wait3A_779 = tpu.memref_slice %arg4[%add3A_664, %dma_wait3A_777, %dma_wait3A_778] : memref<16384x64x160xf32, #tpu.memory_space<hbm>> -> memref<32x64x32xf32, #tpu.memory_space<hbm>>
    %dma_wait3A_780 = arith.constant 0 : i32
    %dma_wait3A_781 = arith.constant 128 : i32
    %dma_wait3A_782 = tpu.memref_slice %arg4[%add3A_664, %dma_wait3A_780, %dma_wait3A_781] : memref<16384x64x160xf32, #tpu.memory_space<hbm>> -> memref<32x64x32xf32, #tpu.memory_space<hbm>>
    tpu.wait_dma2 semaphore(%arg8 : memref<!tpu.dma_semaphore, #tpu.memory_space<semaphore_mem>>) src(%arg5 : memref<32x64x32xf32, #tpu.memory_space<vmem>>) dst(%dma_wait3A_782 : memref<32x64x32xf32, #tpu.memory_space<hbm>>)
    %dma_wait3A_783 = arith.constant 0 : i32
    %dma_wait3A_784 = arith.constant 128 : i32
    %dma_wait3A_785 = tpu.memref_slice %arg4[%add3A_672, %dma_wait3A_783, %dma_wait3A_784] : memref<16384x64x160xf32, #tpu.memory_space<hbm>> -> memref<32x64x32xf32, #tpu.memory_space<hbm>>
    %dma_wait3A_786 = arith.constant 0 : i32
    %dma_wait3A_787 = arith.constant 128 : i32
    %dma_wait3A_788 = tpu.memref_slice %arg4[%add3A_672, %dma_wait3A_786, %dma_wait3A_787] : memref<16384x64x160xf32, #tpu.memory_space<hbm>> -> memref<32x64x32xf32, #tpu.memory_space<hbm>>
    tpu.wait_dma2 semaphore(%arg8 : memref<!tpu.dma_semaphore, #tpu.memory_space<semaphore_mem>>) src(%arg5 : memref<32x64x32xf32, #tpu.memory_space<vmem>>) dst(%dma_wait3A_788 : memref<32x64x32xf32, #tpu.memory_space<hbm>>)
    %dma_wait3A_789 = arith.constant 0 : i32
    %dma_wait3A_790 = arith.constant 128 : i32
    %dma_wait3A_791 = tpu.memref_slice %arg4[%add3A_680, %dma_wait3A_789, %dma_wait3A_790] : memref<16384x64x160xf32, #tpu.memory_space<hbm>> -> memref<32x64x32xf32, #tpu.memory_space<hbm>>
    %dma_wait3A_792 = arith.constant 0 : i32
    %dma_wait3A_793 = arith.constant 128 : i32
    %dma_wait3A_794 = tpu.memref_slice %arg4[%add3A_680, %dma_wait3A_792, %dma_wait3A_793] : memref<16384x64x160xf32, #tpu.memory_space<hbm>> -> memref<32x64x32xf32, #tpu.memory_space<hbm>>
    tpu.wait_dma2 semaphore(%arg8 : memref<!tpu.dma_semaphore, #tpu.memory_space<semaphore_mem>>) src(%arg5 : memref<32x64x32xf32, #tpu.memory_space<vmem>>) dst(%dma_wait3A_794 : memref<32x64x32xf32, #tpu.memory_space<hbm>>)
    %dma_wait3A_795 = arith.constant 0 : i32
    %dma_wait3A_796 = arith.constant 128 : i32
    %dma_wait3A_797 = tpu.memref_slice %arg4[%add3A_688, %dma_wait3A_795, %dma_wait3A_796] : memref<16384x64x160xf32, #tpu.memory_space<hbm>> -> memref<32x64x32xf32, #tpu.memory_space<hbm>>
    %dma_wait3A_798 = arith.constant 0 : i32
    %dma_wait3A_799 = arith.constant 128 : i32
    %dma_wait3A_800 = tpu.memref_slice %arg4[%add3A_688, %dma_wait3A_798, %dma_wait3A_799] : memref<16384x64x160xf32, #tpu.memory_space<hbm>> -> memref<32x64x32xf32, #tpu.memory_space<hbm>>
    tpu.wait_dma2 semaphore(%arg8 : memref<!tpu.dma_semaphore, #tpu.memory_space<semaphore_mem>>) src(%arg5 : memref<32x64x32xf32, #tpu.memory_space<vmem>>) dst(%dma_wait3A_800 : memref<32x64x32xf32, #tpu.memory_space<hbm>>)
    %dma_wait3A_801 = arith.constant 0 : i32
    %dma_wait3A_802 = arith.constant 128 : i32
    %dma_wait3A_803 = tpu.memref_slice %arg4[%add3A_696, %dma_wait3A_801, %dma_wait3A_802] : memref<16384x64x160xf32, #tpu.memory_space<hbm>> -> memref<32x64x32xf32, #tpu.memory_space<hbm>>
    %dma_wait3A_804 = arith.constant 0 : i32
    %dma_wait3A_805 = arith.constant 128 : i32
    %dma_wait3A_806 = tpu.memref_slice %arg4[%add3A_696, %dma_wait3A_804, %dma_wait3A_805] : memref<16384x64x160xf32, #tpu.memory_space<hbm>> -> memref<32x64x32xf32, #tpu.memory_space<hbm>>
    tpu.wait_dma2 semaphore(%arg8 : memref<!tpu.dma_semaphore, #tpu.memory_space<semaphore_mem>>) src(%arg5 : memref<32x64x32xf32, #tpu.memory_space<vmem>>) dst(%dma_wait3A_806 : memref<32x64x32xf32, #tpu.memory_space<hbm>>)
    %dma_wait3A_807 = arith.constant 0 : i32
    %dma_wait3A_808 = arith.constant 128 : i32
    %dma_wait3A_809 = tpu.memref_slice %arg4[%add3A_704, %dma_wait3A_807, %dma_wait3A_808] : memref<16384x64x160xf32, #tpu.memory_space<hbm>> -> memref<32x64x32xf32, #tpu.memory_space<hbm>>
    %dma_wait3A_810 = arith.constant 0 : i32
    %dma_wait3A_811 = arith.constant 128 : i32
    %dma_wait3A_812 = tpu.memref_slice %arg4[%add3A_704, %dma_wait3A_810, %dma_wait3A_811] : memref<16384x64x160xf32, #tpu.memory_space<hbm>> -> memref<32x64x32xf32, #tpu.memory_space<hbm>>
    tpu.wait_dma2 semaphore(%arg8 : memref<!tpu.dma_semaphore, #tpu.memory_space<semaphore_mem>>) src(%arg5 : memref<32x64x32xf32, #tpu.memory_space<vmem>>) dst(%dma_wait3A_812 : memref<32x64x32xf32, #tpu.memory_space<hbm>>)
    return
  }
}

</mosaic_0001>

<sc_bundles>
// kernel: kernel.3.cloned.1.call-start
scs
__scs_entry_jumppad:
0x0: {  	(pc) =	sbr.rel $0x88, $3  }
0x1: {  	(tag) =	ssettag $0x0;
	lr =	simm.s32 $0x1  }
0x2: {  	[smem:$0x3F9F] =	sst lr;
	_ =	strace $0xD0000000  }
0x3: {  	_ = 	snop  }
0x4: {  	_ = 	snop  }
0x5: {  	_ = 	snop  }
0x6: {  	_ = 	snop  }
0x7: {  	_ = 	snop  }
__scs_overlays_trampoline_lowered:
0x8: {  	[smem:$0x3FAE] =	sst s0  }
0x9: {  	[smem:$0x3FAF] =	sst s1  }
0xa: {  	[smem:$0x3FB0] =	sst s2  }
0xb: {  	[smem:$0x3FB1] =	sst s3  }
0xc: {  	[smem:$0x3FB2] =	sst s4  }
0xd: {  	[smem:$0x3FB3] =	sst s5  }
0xe: {  	[smem:$0x3FB4] =	sst s6  }
0xf: {  	[smem:$0x3FB5] =	sst s7  }
0x10: {  	[smem:$0x3FB6] =	sst s8  }
0x11: {  	[smem:$0x3FB7] =	sst s9;
	s0 =	simm.s32 @!p0 $0x0  }
0x12: {  	s1 =	sld [smem:$0x3F9D];
	s0 =	simm.s32 @p0 $0x1  }
0x13: {  	[smem:$0x3FB8] =	sst s0;
	s0 =	simm.s32 @!p1 $0x0  }
0x14: {  	s2 =	sld [smem:$0x3F9C];
	s0 =	simm.s32 @p1 $0x1  }
0x15: {  	[smem:$0x3FB9] =	sst s0;
	s0 =	simm.s32 @!p2 $0x0  }
0x16: {  	s3 =	sld [smem:$0x3FDB];
	s0 =	simm.s32 @p2 $0x1  }
0x17: {  	s4 =	simm.s32 $0x1BF5;
	[smem:$0x3FBB] =	sst s0  }
0x18: {  	s0 =	sld [smem:$0x3F9E];
	_ =	swait.ge [sflag:s4], $0x0  }
0x19: {  	s7 =	sld [smem:$0x3F9F]  }
0x1a: {  	s8 =	sadd.s32 $0xFFFFE003, lr  }
0x1b: {  	s9 =	sadd.s32 $0xFFFFFEF7, lr;
	s5 =	simm.s32 $0xFFFFFFFF;
	p2 =	slt.u32 s8, $0xFFFFF086  }
0x1c: {  	p1 =	slt.u32 s9, $0xF7A;
	s5 =	simm.s32 @!p2 $0x0  }
0x1d: {  	s5 =	simm.s32 @p1 $0x1;
	p0 =	seq.s32 s7, s2  }
0x1e: {  	s7 =	smul.u32 @!p0 $0xF7A, s2;
	p2 =	seq.s32 @!p0 s5, $0x0  }
0x1f: {  	s9 =	smul.u32 $0xF7A, s1;
	s8 =	simm.s32 @!p0 $0x1BF5;
	p2 =	por !p2, p0  }
0x20: {  	[sflag:s8] =	ssyncset.s32 @!p0 $0xFFFFF086;
	s6 =	sadd.s32 @!p0 s3, s7;
	s7 =	simm.s32 @!p0 $0x108  }
0x21: {  	s3 =	sadd.s32 s3, s9;
	s6 =	sadd.s32 @!p0 $0x88, s6;
	s7 =	simm.s32 @p2 $0x1082  }
0x22: {  	[simem:s7], [sflag:s8] =	dma.local @!p0 [hbm:s6], $0xF7A  }
0x23: {  	s9 =	sor.u32 $0xD0000000, s2;
	s6 =	simm.s32 $0x108;
	_ =	swait.ge @!p0 [sflag:s8], $0x0  }
0x24: {  	s3 =	sadd.s32 $0x88, s3;
	s6 =	simm.s32 @!p1 $0x1082;
	[sflag:s4] =	ssyncset.s32 $0xFFFFF086  }
0x25: {  	[simem:s6], [sflag:s4] =	dma.local [hbm:s3], $0xF7A  }
0x26: {  	[smem:$0x3F9F] =	sst s1;
	(tag) =	ssettag s2;
	_ =	strace s9  }
0x27: {  	s1 =	sld [smem:$0x3FAF]  }
0x28: {  	s2 =	sld [smem:$0x3FB0]  }
0x29: {  	s4 =	sld [smem:$0x3FB2]  }
0x2a: {  	p0 =	seq.s32 s5, $0x0;
	s5 =	sld [smem:$0x3FB3]  }
0x2b: {  	s6 =	sld [smem:$0x3FB4]  }
0x2c: {  	s7 =	sld [smem:$0x3FB5]  }
0x2d: {  	s3 =	simm.s32 $0x108;
	s8 =	sld [smem:$0x3FB6]  }
0x2e: {  	s3 =	simm.s32 @!p0 $0x1082;
	s9 =	sld [smem:$0x3FB7]  }
0x2f: {  	lr =	sadd.s32 s0, s3;
	s0 =	sld [smem:$0x3FAE]  }
0x30: {  	s3 =	sld [smem:$0x3FB1]  }
0x31: {  	[smem:$0x3FBA] =	sst s10  }
0x32: {  	s10 =	sld [smem:$0x3FB8];
	_ =	sdelay $0x3  }
0x33: {  	p0 =	seq.s32 s10, $0x1;
	s10 =	sld [smem:$0x3FBA];
	_ =	sdelay $0x3  }
0x34: {  	[smem:$0x3FBA] =	sst s10  }
0x35: {  	s10 =	sld [smem:$0x3FB9];
	_ =	sdelay $0x3  }
0x36: {  	p1 =	seq.s32 s10, $0x1;
	s10 =	sld [smem:$0x3FBA];
	_ =	sdelay $0x3  }
0x37: {  	[smem:$0x3FBA] =	sst s10  }
0x38: {  	s10 =	sld [smem:$0x3FBB]  }
0x39: {  	_ = 	snop;
	(pc) =	sbr.ind lr, $3  }
0x3a: {  	_ = 	snop  }
0x3b: {  	_ = 	snop  }
0x3c: {  	p2 =	seq.s32 s10, $0x1;
	s10 =	sld [smem:$0x3FBA]  }
0x3d: {  	_ =	shalt  }
0x3e: {  	_ =	shalt  }
0x3f: {  	_ =	shalt  }
0x40: {  	_ =	shalt  }
0x41: {  	_ =	shalt  }
0x42: {  	_ =	shalt  }
0x43: {  	_ =	shalt  }
0x44: {  	_ =	shalt  }
0x45: {  	_ =	shalt  }
0x46: {  	_ =	shalt  }
0x47: {  	_ =	shalt  }
0x48: {  	_ =	shalt  }
0x49: {  	_ =	shalt  }
0x4a: {  	_ =	shalt  }
0x4b: {  	_ =	shalt  }
0x4c: {  	_ =	shalt  }
0x4d: {  	_ =	shalt  }
0x4e: {  	_ =	shalt  }
0x4f: {  	_ =	shalt  }
0x50: {  	_ =	shalt  }
0x51: {  	_ =	shalt  }
0x52: {  	_ =	shalt  }
0x53: {  	_ =	shalt  }
0x54: {  	_ =	shalt  }
0x55: {  	_ =	shalt  }
0x56: {  	_ =	shalt  }
0x57: {  	_ =	shalt  }
0x58: {  	_ =	shalt  }
0x59: {  	_ =	shalt  }
0x5a: {  	_ =	shalt  }
0x5b: {  	_ =	shalt  }
0x5c: {  	_ =	shalt  }
0x5d: {  	_ =	shalt  }
0x5e: {  	_ =	shalt  }
0x5f: {  	_ =	shalt  }
0x60: {  	_ =	shalt  }
0x61: {  	_ =	shalt  }
0x62: {  	_ =	shalt  }
0x63: {  	_ =	shalt  }
0x64: {  	_ =	shalt  }
0x65: {  	_ =	shalt  }
0x66: {  	_ =	shalt  }
0x67: {  	_ =	shalt  }
0x68: {  	_ =	shalt  }
0x69: {  	_ =	shalt  }
0x6a: {  	_ =	shalt  }
0x6b: {  	_ =	shalt  }
0x6c: {  	_ =	shalt  }
0x6d: {  	_ =	shalt  }
0x6e: {  	_ =	shalt  }
0x6f: {  	_ =	shalt  }
0x70: {  	_ =	shalt  }
0x71: {  	_ =	shalt  }
0x72: {  	_ =	shalt  }
0x73: {  	_ =	shalt  }
0x74: {  	_ =	shalt  }
0x75: {  	_ =	shalt  }
0x76: {  	_ =	shalt  }
0x77: {  	_ =	shalt  }
0x78: {  	_ =	shalt  }
0x79: {  	_ =	shalt  }
0x7a: {  	_ =	shalt  }
0x7b: {  	_ =	shalt  }
0x7c: {  	_ =	shalt  }
0x7d: {  	_ =	shalt  }
0x7e: {  	_ =	shalt  }
0x7f: {  	_ =	shalt  }
0x80: {  	_ =	shalt  }
0x81: {  	_ =	shalt  }
0x82: {  	_ =	shalt  }
0x83: {  	_ =	shalt  }
0x84: {  	_ =	shalt  }
0x85: {  	_ =	shalt  }
0x86: {  	_ =	shalt  }
0x87: {  	_ =	shalt  }
.Lfunc_end0:
.L_simem_size_0:
called_computation.1_lowered:
.L_overlay_start_0:
0x88: {  	s2 =	sld [smem:$0x3FD9]  }
0x89: {  	s3 =	sld [smem:$0x3FFE];
	_ =	sdelay $0x1  }
0x8a: {  	s1 =	srdreg.scid  }
0x8b: {  	s0 =	sand.u32 $0x1, s1  }
0x8c: {  	s17 =	sshll.u32 s0, $0xA;
	s2 =	sadd.s32 s3, s2  }
0x8d: {  	s2 =	sadd.s32 s2, s17  }
0x8e: {  	[smem:$0x3FC6] =	sst s2  }
0x8f: {  	_ = 	snop  }
0x90: {  	s2 =	sld [smem:$0x3FC9]  }
0x91: {  	s18 =	sld [smem:$0x3FD0];
	(tm) =	ssettm $0x1  }
0x92: {  	s4 =	sld [smem:$0x3FFB];
	_ =	sdelay $0x3  }
0x93: {  	_ =	strace s4  }
0x94: {  	s4 =	sld [smem:$0x3FFC];
	_ =	sdelay $0x3  }
0x95: {  	_ =	strace s4  }
0x96: {  	s4 =	sld [smem:$0x3FFD];
	_ =	sdelay $0x3  }
0x97: {  	_ =	strace s4  }
0x98: {  	_ =	strace $0x8FFFFFFF  }
0x99: {  	s19 =	sld [smem:$0x3FDB];
	_ =	sdelay $0x1  }
0x9a: {  	s5 =	simm.s32 $_scs_section_size  }
0x9b: {  	s6 =	simm.s32 $_size__tile_overlayer_lowered;
	s7 =	simm.s32 $_tile_overlayer_lowered  }
0x9c: {  	s22 =	simm.s32 $0x1BFF;
	s21 =	sshll.u32 s7, $0x1;
	s4 =	sadd.s32 s5, s19  }
0x9d: {  	s8 =	simm.s32 $0x0;
	s20 =	sshll.u32 s6, $0x1;
	s6 =	sadd.s32 s21, s4  }
0x9e: {  	[timem:s8], [sflag:s22] =	dma.local [hbm:s6], s20  }
0x9f: {  	_ =	swait.ge [sflag:s22], s20  }
0xa0: {  	s5 =	ssub.s32 $0x0, s20;
	[sflag:s22] =	ssyncset.done $0x0  }
0xa1: {  	[sflag:s22] =	ssyncadd.s32 s5;
	_ =	sdelay $0x1  }
0xa2: {  	s23 =	simm.s32 $0x1B8B  }
0xa3: {  	_ =	swait.ge [sflag:s23], $0x1  }
0xa4: {  	[sflag:s23] =	ssyncset.done $0x0  }
0xa5: {  	s25 =	simm.s32 $0x1B8E;
	s24 =	sld [smem:$0x3FFE];
	[sflag:s23] =	ssyncadd.s32 $0xFFFFFFFF  }
0xa6: {  	s26 =	simm.s32 $execute0_lowered;
	[smem:$0x3FD2] =	sst s25  }
0xa7: {  	s6 =	sshll.u32 s26, $0x1;
	_ =	strace $0x80000046;
	[dreg:$0x1] =	wrdreg $0xFFFFFFFF  }
0xa8: {  	s28 =	simm.s32 $_size_execute0_lowered;
	s4 =	sadd.s32 s4, s6;
	[dreg:$0x0] =	wrdreg $0x0  }
0xa9: {  	s6 =	sshll.u32 s28, $0x1;
	[dreg:$0x2] =	wrdreg s4  }
0xaa: {  	[dreg:$0x3] =	wrdreg s6  }
0xab: {  	[dreg:$0x4] =	wrdreg $0xC0  }
0xac: {  	_ =	task [dreg:s8], $0x5FFFF  }
0xad: {  	[dreg:$0x1] =	wrdreg $0xFFFFFFFF  }
0xae: {  	[dreg:$0x0] =	wrdreg $0x60  }
0xaf: {  	[dreg:$0x2] =	wrdreg s2  }
0xb0: {  	[dreg:$0x3] =	wrdreg s24  }
0xb1: {  	[dreg:$0x4] =	wrdreg s18  }
0xb2: {  	[dreg:$0x5] =	wrdreg $0x9  }
0xb3: {  	_ =	task.clear_ibuf [dreg:s8], $0x6FFFF;
	_ =	strace $0x90000046  }
0xb4: {  	s29 =	simm.s32 $0x9;
	_ =	strace $0x80000048  }
0xb5: {  	_ =	swait.ge [sflag:s29], $0x1  }
0xb6: {  	[sflag:s29] =	ssyncadd.s32 $0xFFFFFFFF  }
0xb7: {  	_ =	strace $0x90000048  }
0xb8: {  	_ =	sfence  }
0xb9: {  	s30 =	sld [smem:$0x0];
	_ =	sdelay $0x2  }
0xba: {  	s31 =	sshll.u32 s1, $0xD;
	s1 =	sshrl.u32 s1, $0x2  }
0xbb: {  	s3 =	sand.u32 $0x4000, s31;
	s1 =	sadd.s32 s1, s30  }
0xbc: {  	s0 =	sor.u32 s3, s0;
	s1 =	sshll.u32 s1, $0x11  }
0xbd: {  	s0 =	sor.u32 s1, s0  }
0xbe: {  	s0 =	sadd.s32 $0x8F2B, s0  }
0xbf: {  	[sflag:s0] =	ssyncadd.remote.s32 $0x1  }
0xc0: {  	_ =	sfence.sel $0xFFFF  }
0xc1: {  	[dreg:$0x0] =	wrdreg $0xFFFFFFFF;
	(pc) =	sbr.abs _section_cstart, $3  }
0xc2: {  	[dreg:$0x1] =	wrdreg $0xFFFFFFFF  }
0xc3: {  	_ =	task.clear_ibuf [dreg:s8], $0x2FFFF;
	_ =	strace $0x9FFFFFFF  }
0xc4: {  	(tm) =	ssettm $0x7FFFFFFF  }
0xc5: {  	_ =	shalt  }
tec
execute0_lowered:
.L_overlay_start_1:
0x0: {  	(tag) =	ssettag $0x1  }
0x1: {  	s1 =	srdreg.scid;
	s4 =	rddreg [dreg:$0x0]  }
0x2: {  	s10 =	stileid.u32;
	s3 =	rddreg [dreg:$0x1];
	s1 =	sand.u32 $0x1, s1  }
0x3: {  	s6 =	rddreg [dreg:$0x2];
	s2 =	sshll.u32 s10, $0xA;
	s5 =	sshll.u32 s1, $0x9  }
0x4: {  	s9 =	sshll.u32 s10, $0x6;
	s5 =	sor.u32 s5, s2;
	s2 =	simm.s32 $0x0  }
0x5: {  	s18 =	sor.u32 $0x1C02, s9;
	[smem:$0x7FF] =	sst s2  }
0x6: {  	s14 =	simm.s32 $0x800;
	_ =	strace $0x80000047;
	[dreg:$0x5] =	wrdreg s18  }
0x7: {  	s15 =	simm.s32 $0x1000;
	s16 =	simm.s32 $0x1800;
	[dreg:$0x16] =	wrdreg s14  }
0x8: {  	s17 =	simm.s32 $0x2000;
	s7 =	smul.u32 $0x2800, s5;
	[dreg:$0x17] =	wrdreg s15  }
0x9: {  	s8 =	sshll.u32 s5, $0xA;
	s5 =	smul.u32 $0x500, s5;
	[dreg:$0x18] =	wrdreg s16  }
0xa: {  	s4 =	sadd.s32 s4, s8;
	[dreg:$0x19] =	wrdreg s17  }
0xb: {  	s18 =	simm.s32 $0x2800;
	[dreg:$0x4] =	wrdreg s4;
	s5 =	sadd.s32 s5, s6  }
0xc: {  	[dreg:$0x1a] =	wrdreg s18;
	s20 =	sadd.s32 $0xA010, s5  }
0xd: {  	s7 =	sshrl.u32 s7, $0x3;
	s21 =	sadd.s32 $0x14010, s5;
	[dreg:$0x7] =	wrdreg s20  }
0xe: {  	s8 =	sadd.s32 s6, s7;
	s22 =	sadd.s32 $0x1E010, s5;
	[dreg:$0x8] =	wrdreg s21  }
0xf: {  	s19 =	sadd.s32 $0x10, s8;
	[dreg:$0x9] =	wrdreg s22  }
0x10: {  	s23 =	sadd.s32 $0x28010, s8;
	[dreg:$0x6] =	wrdreg s19  }
0x11: {  	s24 =	sadd.s32 $0x32010, s8;
	[dreg:$0xa] =	wrdreg s23  }
0x12: {  	s28 =	simm.s32 $0xE000;
	s25 =	sadd.s32 $0x3C010, s8;
	[dreg:$0xb] =	wrdreg s24  }
0x13: {  	s29 =	simm.s32 $0xE800;
	s26 =	sadd.s32 $0x46010, s8;
	[dreg:$0xc] =	wrdreg s25  }
0x14: {  	p0 =	por $0x0, $0x0;
	s0 =	sadd.s32 $0x50010, s8;
	[dreg:$0xd] =	wrdreg s26  }
0x15: {  	s30 =	simm.s32 $0x14;
	s5 =	sadd.s32 $0x5A010, s8;
	[dreg:$0xe] =	wrdreg s0  }
0x16: {  	s31 =	simm.s32 $0x10;
	s6 =	sadd.s32 $0x64010, s8;
	[dreg:$0xf] =	wrdreg s5  }
0x17: {  	s1 =	ssub.s32 $0x2, s1;
	s7 =	sadd.s32 $0x6E010, s8;
	[dreg:$0x10] =	wrdreg s6  }
0x18: {  	s14 =	simm.s32 $0x7800;
	s9 =	sadd.s32 $0x78010, s8;
	[dreg:$0x11] =	wrdreg s7  }
0x19: {  	s15 =	simm.s32 $0x8000;
	s11 =	sadd.s32 $0x82010, s8;
	[dreg:$0x12] =	wrdreg s9  }
0x1a: {  	s16 =	simm.s32 $0x8800;
	s12 =	sadd.s32 $0x8C010, s8;
	[dreg:$0x13] =	wrdreg s11  }
0x1b: {  	s17 =	simm.s32 $0x9000;
	s13 =	sadd.s32 $0x96010, s8;
	[dreg:$0x14] =	wrdreg s12  }
0x1c: {  	s18 =	simm.s32 $0x9800;
	s20 =	simm.s32 $0x3800;
	[dreg:$0x15] =	wrdreg s13  }
0x1d: {  	s4 =	simm.s32 $0x2;
	s21 =	simm.s32 $0x4000;
	[dreg:$0x1c] =	wrdreg s20  }
0x1e: {  	s22 =	simm.s32 $0x4800;
	s19 =	simm.s32 $0x3000;
	[dreg:$0x1d] =	wrdreg s21  }
0x1f: {  	s9 =	sadd.s32 $0x800, s3;
	s23 =	sshrl.u32 s1, $0x1;
	[dreg:$0x1e] =	wrdreg s22  }
0x20: {  	s24 =	simm.s32 $0x5000;
	s25 =	simm.s32 $0x5800;
	s26 =	simm.s32 $0x6000  }
0x21: {  	s12 =	simm.s32 $0x6800;
	s13 =	simm.s32 $0x7000;
	s1 =	ssub.s32 s1, s23  }
0x22: {  	s20 =	simm.s32 $0xA800;
	s21 =	simm.s32 $0xB000;
	s1 =	smax.u32 s1, $0x1  }
0x23: {  	s22 =	simm.s32 $0xB800;
	[dreg:$0x1b] =	wrdreg s19;
	p1 =	sne.s32 s1, $0x1  }
.Ltmp0:
0x24: {  	s11 =	simm.s32 $0xF000;
	[dreg:$0x1f] =	wrdreg s24;
	(pc) =	sbr.rel @!p1 .LBB2_5-.Ltmp0, $4  }
0x25: {  	s7 =	simm.s32 $0x1;
	s5 =	simm.s32 $0x20;
	[smem:$0x7FC] =	sst s25  }
0x26: {  	s6 =	simm.s32 $0xA0;
	s3 =	simm.s32 $0x3;
	[smem:$0x7FD] =	sst s26  }
0x27: {  	s19 =	simm.s32 $0xA000;
	s23 =	simm.s32 $0xC000;
	s24 =	simm.s32 $0xC800  }
0x28: {  	s25 =	simm.s32 $0xD000;
	s26 =	simm.s32 $0xD800;
	s0 =	sadd.s32 $0xFFFFFFFF, s1  }
0x29: {  	[smem:$0x7FB] =	sst s0  }
0x2a: {  	s10 =	rddreg [dreg:$0x16]  }
0x2b: {  	[tilespmem:s2], [sflag:$0x1] =	stream.linear.gather [hbm4b:s9+s2], $0x800, $0x38;
	[tilespmem:$0x10000] =	vst v63  }
0x2c: {  	s1 =	rddreg [dreg:$0x17]  }
0x2d: {  	[tilespmem:s10], [sflag:$0x1] =	stream.linear.gather [hbm4b:s9+s2], $0x800, $0x38;
	[tilespmem:$0x10000] =	vst v63  }
0x2e: {  	s0 =	rddreg [dreg:$0x18]  }
0x2f: {  	[tilespmem:s1], [sflag:$0x1] =	stream.linear.gather [hbm4b:s9+s2], $0x800, $0x38;
	[tilespmem:$0x10000] =	vst v63  }
0x30: {  	s10 =	rddreg [dreg:$0x19]  }
0x31: {  	[tilespmem:s0], [sflag:$0x1] =	stream.linear.gather [hbm4b:s9+s2], $0x800, $0x38;
	[tilespmem:$0x10000] =	vst v63  }
0x32: {  	s0 =	rddreg [dreg:$0x1a]  }
0x33: {  	[tilespmem:s10], [sflag:$0x1] =	stream.linear.gather [hbm4b:s9+s2], $0x800, $0x38;
	[tilespmem:$0x10000] =	vst v63  }
0x34: {  	s10 =	rddreg [dreg:$0x1b]  }
0x35: {  	[tilespmem:s0], [sflag:$0x1] =	stream.linear.gather [hbm4b:s9+s2], $0x800, $0x38;
	[tilespmem:$0x10000] =	vst v63  }
0x36: {  	s0 =	rddreg [dreg:$0x1c]  }
0x37: {  	[tilespmem:s10], [sflag:$0x1] =	stream.linear.gather [hbm4b:s9+s2], $0x800, $0x38;
	[tilespmem:$0x10000] =	vst v63  }
0x38: {  	s10 =	rddreg [dreg:$0x1d]  }
0x39: {  	[tilespmem:s0], [sflag:$0x1] =	stream.linear.gather [hbm4b:s9+s2], $0x800, $0x38;
	[tilespmem:$0x10000] =	vst v63  }
0x3a: {  	s0 =	rddreg [dreg:$0x1e]  }
0x3b: {  	[tilespmem:s10], [sflag:$0x1] =	stream.linear.gather [hbm4b:s9+s2], $0x800, $0x38;
	[tilespmem:$0x10000] =	vst v63  }
0x3c: {  	s10 =	rddreg [dreg:$0x1f]  }
0x3d: {  	[tilespmem:s0], [sflag:$0x1] =	stream.linear.gather [hbm4b:s9+s2], $0x800, $0x38;
	[tilespmem:$0x10000] =	vst v63  }
0x3e: {  	s0 =	sld [smem:$0x7FC]  }
0x3f: {  	[tilespmem:s10], [sflag:$0x1] =	stream.linear.gather [hbm4b:s9+s2], $0x800, $0x38;
	[tilespmem:$0x10000] =	vst v63  }
0x40: {  	s10 =	sld [smem:$0x7FD]  }
0x41: {  	[tilespmem:s0], [sflag:$0x1] =	stream.linear.gather [hbm4b:s9+s2], $0x800, $0x38;
	[tilespmem:$0x10000] =	vst v63  }
0x42: {  	_ = 	snop  }
0x43: {  	[tilespmem:s10], [sflag:$0x1] =	stream.linear.gather [hbm4b:s9+s2], $0x800, $0x38;
	[tilespmem:$0x10000] =	vst v63  }
0x44: {  	_ = 	snop  }
0x45: {  	[tilespmem:s12], [sflag:$0x1] =	stream.linear.gather [hbm4b:s9+s2], $0x800, $0x38;
	[tilespmem:$0x10000] =	vst v63  }
0x46: {  	_ = 	snop  }
0x47: {  	[tilespmem:s13], [sflag:$0x1] =	stream.linear.gather [hbm4b:s9+s2], $0x800, $0x38;
	[tilespmem:$0x10000] =	vst v63  }
0x48: {  	_ = 	snop  }
0x49: {  	[tilespmem:s14], [sflag:$0x1] =	stream.linear.gather [hbm4b:s9+s2], $0x800, $0x38;
	[tilespmem:$0x10000] =	vst v63  }
0x4a: {  	_ = 	snop  }
0x4b: {  	[tilespmem:s15], [sflag:$0x1] =	stream.linear.gather [hbm4b:s9+s2], $0x800, $0x38;
	[tilespmem:$0x10000] =	vst v63  }
0x4c: {  	_ = 	snop  }
0x4d: {  	[tilespmem:s16], [sflag:$0x1] =	stream.linear.gather [hbm4b:s9+s2], $0x800, $0x38;
	[tilespmem:$0x10000] =	vst v63  }
0x4e: {  	_ = 	snop  }
0x4f: {  	[tilespmem:s17], [sflag:$0x1] =	stream.linear.gather [hbm4b:s9+s2], $0x800, $0x38;
	[tilespmem:$0x10000] =	vst v63  }
0x50: {  	_ = 	snop  }
0x51: {  	[tilespmem:s18], [sflag:$0x1] =	stream.linear.gather [hbm4b:s9+s2], $0x800, $0x38;
	[tilespmem:$0x10000] =	vst v63  }
0x52: {  	_ = 	snop  }
0x53: {  	[tilespmem:s19], [sflag:$0x1] =	stream.linear.gather [hbm4b:s9+s2], $0x800, $0x38;
	[tilespmem:$0x10000] =	vst v63  }
0x54: {  	_ = 	snop  }
0x55: {  	[tilespmem:s20], [sflag:$0x1] =	stream.linear.gather [hbm4b:s9+s2], $0x800, $0x38;
	[tilespmem:$0x10000] =	vst v63  }
0x56: {  	_ = 	snop  }
0x57: {  	[tilespmem:s21], [sflag:$0x1] =	stream.linear.gather [hbm4b:s9+s2], $0x800, $0x38;
	[tilespmem:$0x10000] =	vst v63  }
0x58: {  	_ = 	snop  }
0x59: {  	[tilespmem:s22], [sflag:$0x1] =	stream.linear.gather [hbm4b:s9+s2], $0x800, $0x38;
	[tilespmem:$0x10000] =	vst v63  }
0x5a: {  	_ = 	snop  }
0x5b: {  	[tilespmem:s23], [sflag:$0x1] =	stream.linear.gather [hbm4b:s9+s2], $0x800, $0x38;
	[tilespmem:$0x10000] =	vst v63  }
0x5c: {  	_ = 	snop  }
0x5d: {  	[tilespmem:s24], [sflag:$0x1] =	stream.linear.gather [hbm4b:s9+s2], $0x800, $0x38;
	[tilespmem:$0x10000] =	vst v63  }
0x5e: {  	_ = 	snop  }
0x5f: {  	[tilespmem:s25], [sflag:$0x1] =	stream.linear.gather [hbm4b:s9+s2], $0x800, $0x38;
	[tilespmem:$0x10000] =	vst v63  }
0x60: {  	_ = 	snop  }
0x61: {  	[tilespmem:s26], [sflag:$0x1] =	stream.linear.gather [hbm4b:s9+s2], $0x800, $0x38;
	[tilespmem:$0x10000] =	vst v63  }
0x62: {  	_ = 	snop  }
0x63: {  	[tilespmem:s28], [sflag:$0x1] =	stream.linear.gather [hbm4b:s9+s2], $0x800, $0x38;
	[tilespmem:$0x10000] =	vst v63  }
0x64: {  	_ = 	snop  }
0x65: {  	[tilespmem:s29], [sflag:$0x1] =	stream.linear.gather [hbm4b:s9+s2], $0x800, $0x38;
	[tilespmem:$0x10000] =	vst v63  }
0x66: {  	s1 =	rddreg [dreg:$0x4]  }
0x67: {  	[tilespmem:s11], [sflag:$0x1] =	stream.linear.gather [hbm4b:s9+s2], $0x800, $0x38;
	[tilespmem:$0x10000] =	vst v63  }
0x68: {  	s0 =	rddreg [dreg:$0x5];
	s10 =	simm.s32 $0xF800  }
0x69: {  	[tilespmem:s10], [sflag:$0x1] =	stream.linear.gather [hbm4b:s9+s2], $0x800, $0x38;
	[tilespmem:$0x10000] =	vst v63  }
0x6a: {  	[hbm:s8@s30], [sflag:s0] =	dma.strided [hbm:s1@s31], $0x80000, s7, $0x10   }
0x6b: {  	_ =	swait.ge [sflag:s7], $0x800  }
0x6c: {  	[sflag:s7] =	ssyncset.done $0x0  }
0x6d: {  	[sflag:s7] =	ssyncadd.s32 $0xFFFFF800  }
0x6e: {  	_ =	swait.ge [sflag:s7], $0x800  }
0x6f: {  	[sflag:s7] =	ssyncset.done $0x0  }
0x70: {  	[sflag:s7] =	ssyncadd.s32 $0xFFFFF800  }
0x71: {  	_ =	swait.ge [sflag:s7], $0x800  }
0x72: {  	[sflag:s7] =	ssyncset.done $0x0  }
0x73: {  	[sflag:s7] =	ssyncadd.s32 $0xFFFFF800  }
0x74: {  	_ =	swait.ge [sflag:s7], $0x800  }
0x75: {  	[sflag:s7] =	ssyncset.done $0x0  }
0x76: {  	[sflag:s7] =	ssyncadd.s32 $0xFFFFF800  }
0x77: {  	_ =	swait.ge [sflag:s7], $0x800  }
0x78: {  	[sflag:s7] =	ssyncset.done $0x0  }
0x79: {  	[sflag:s7] =	ssyncadd.s32 $0xFFFFF800  }
0x7a: {  	_ =	swait.ge [sflag:s7], $0x800  }
0x7b: {  	[sflag:s7] =	ssyncset.done $0x0  }
0x7c: {  	[sflag:s7] =	ssyncadd.s32 $0xFFFFF800  }
0x7d: {  	_ =	swait.ge [sflag:s7], $0x800  }
0x7e: {  	[sflag:s7] =	ssyncset.done $0x0  }
0x7f: {  	[sflag:s7] =	ssyncadd.s32 $0xFFFFF800  }
0x80: {  	_ =	swait.ge [sflag:s7], $0x800  }
0x81: {  	[sflag:s7] =	ssyncset.done $0x0  }
0x82: {  	[sflag:s7] =	ssyncadd.s32 $0xFFFFF800  }
0x83: {  	_ =	swait.ge [sflag:s7], $0x800  }
0x84: {  	[sflag:s7] =	ssyncset.done $0x0  }
0x85: {  	[sflag:s7] =	ssyncadd.s32 $0xFFFFF800  }
0x86: {  	_ =	swait.ge [sflag:s7], $0x800  }
0x87: {  	[sflag:s7] =	ssyncset.done $0x0  }
0x88: {  	[sflag:s7] =	ssyncadd.s32 $0xFFFFF800  }
0x89: {  	_ =	swait.ge [sflag:s7], $0x800  }
0x8a: {  	[sflag:s7] =	ssyncset.done $0x0  }
0x8b: {  	[sflag:s7] =	ssyncadd.s32 $0xFFFFF800  }
0x8c: {  	_ =	swait.ge [sflag:s7], $0x800  }
0x8d: {  	[sflag:s7] =	ssyncset.done $0x0  }
0x8e: {  	[sflag:s7] =	ssyncadd.s32 $0xFFFFF800  }
0x8f: {  	_ =	swait.ge [sflag:s7], $0x800  }
0x90: {  	[sflag:s7] =	ssyncset.done $0x0  }
0x91: {  	[sflag:s7] =	ssyncadd.s32 $0xFFFFF800  }
0x92: {  	_ =	swait.ge [sflag:s7], $0x800  }
0x93: {  	[sflag:s7] =	ssyncset.done $0x0  }
0x94: {  	[sflag:s7] =	ssyncadd.s32 $0xFFFFF800  }
0x95: {  	_ =	swait.ge [sflag:s7], $0x800  }
0x96: {  	[sflag:s7] =	ssyncset.done $0x0  }
0x97: {  	[sflag:s7] =	ssyncadd.s32 $0xFFFFF800  }
0x98: {  	_ =	swait.ge [sflag:s7], $0x800  }
0x99: {  	[sflag:s7] =	ssyncset.done $0x0  }
0x9a: {  	[sflag:s7] =	ssyncadd.s32 $0xFFFFF800  }
0x9b: {  	_ =	swait.ge [sflag:s7], $0x800  }
0x9c: {  	[sflag:s7] =	ssyncset.done $0x0  }
0x9d: {  	[sflag:s7] =	ssyncadd.s32 $0xFFFFF800  }
0x9e: {  	_ =	swait.ge [sflag:s7], $0x800  }
0x9f: {  	[sflag:s7] =	ssyncset.done $0x0  }
0xa0: {  	[sflag:s7] =	ssyncadd.s32 $0xFFFFF800  }
0xa1: {  	_ =	swait.ge [sflag:s7], $0x800  }
0xa2: {  	[sflag:s7] =	ssyncset.done $0x0  }
0xa3: {  	[sflag:s7] =	ssyncadd.s32 $0xFFFFF800  }
0xa4: {  	_ =	swait.ge [sflag:s7], $0x800  }
0xa5: {  	[sflag:s7] =	ssyncset.done $0x0  }
0xa6: {  	[sflag:s7] =	ssyncadd.s32 $0xFFFFF800  }
0xa7: {  	_ =	swait.ge [sflag:s7], $0x800  }
0xa8: {  	[sflag:s7] =	ssyncset.done $0x0  }
0xa9: {  	[sflag:s7] =	ssyncadd.s32 $0xFFFFF800  }
0xaa: {  	_ =	swait.ge [sflag:s7], $0x800  }
0xab: {  	[sflag:s7] =	ssyncset.done $0x0  }
0xac: {  	[sflag:s7] =	ssyncadd.s32 $0xFFFFF800  }
0xad: {  	_ =	swait.ge [sflag:s7], $0x800  }
0xae: {  	[sflag:s7] =	ssyncset.done $0x0  }
0xaf: {  	[sflag:s7] =	ssyncadd.s32 $0xFFFFF800  }
0xb0: {  	_ =	swait.ge [sflag:s7], $0x800  }
0xb1: {  	[sflag:s7] =	ssyncset.done $0x0  }
0xb2: {  	[sflag:s7] =	ssyncadd.s32 $0xFFFFF800  }
0xb3: {  	_ =	swait.ge [sflag:s7], $0x800  }
0xb4: {  	[sflag:s7] =	ssyncset.done $0x0  }
0xb5: {  	[sflag:s7] =	ssyncadd.s32 $0xFFFFF800  }
0xb6: {  	_ =	swait.ge [sflag:s7], $0x800  }
0xb7: {  	[sflag:s7] =	ssyncset.done $0x0  }
0xb8: {  	[sflag:s7] =	ssyncadd.s32 $0xFFFFF800  }
0xb9: {  	_ =	swait.ge [sflag:s7], $0x800  }
0xba: {  	[sflag:s7] =	ssyncset.done $0x0  }
0xbb: {  	[sflag:s7] =	ssyncadd.s32 $0xFFFFF800  }
0xbc: {  	_ =	swait.ge [sflag:s7], $0x800  }
0xbd: {  	[sflag:s7] =	ssyncset.done $0x0  }
0xbe: {  	[sflag:s7] =	ssyncadd.s32 $0xFFFFF800  }
0xbf: {  	_ =	swait.ge [sflag:s7], $0x800  }
0xc0: {  	[sflag:s7] =	ssyncset.done $0x0  }
0xc1: {  	[sflag:s7] =	ssyncadd.s32 $0xFFFFF800  }
0xc2: {  	_ =	swait.ge [sflag:s7], $0x800  }
0xc3: {  	[sflag:s7] =	ssyncset.done $0x0  }
0xc4: {  	[sflag:s7] =	ssyncadd.s32 $0xFFFFF800  }
0xc5: {  	_ =	swait.ge [sflag:s7], $0x800  }
0xc6: {  	[sflag:s7] =	ssyncset.done $0x0  }
0xc7: {  	[sflag:s7] =	ssyncadd.s32 $0xFFFFF800  }
0xc8: {  	_ =	swait.ge [sflag:s7], $0x800  }
0xc9: {  	[sflag:s7] =	ssyncset.done $0x0  }
0xca: {  	s1 =	rddreg [dreg:$0x6];
	[sflag:s7] =	ssyncadd.s32 $0xFFFFF800  }
0xcb: {  	[hbm4b:s1+s5] =	stream.strided.scatter [tilespmem:s2], [sflag:$0x3], $0x10000, s6, s5, $0x38;
	[tilespmem:$0x10000] =	vst v63  }
0xcc: {  	s10 =	rddreg [dreg:$0x7]  }
0xcd: {  	[hbm4b:s10+s5] =	stream.strided.scatter [tilespmem:s2], [sflag:$0x3], $0x10000, s6, s5, $0x38;
	[tilespmem:$0x10000] =	vst v63  }
0xce: {  	s0 =	rddreg [dreg:$0x8]  }
0xcf: {  	[hbm4b:s0+s5] =	stream.strided.scatter [tilespmem:s2], [sflag:$0x3], $0x10000, s6, s5, $0x38;
	[tilespmem:$0x10000] =	vst v63  }
0xd0: {  	s10 =	rddreg [dreg:$0x9]  }
0xd1: {  	[hbm4b:s10+s5] =	stream.strided.scatter [tilespmem:s2], [sflag:$0x3], $0x10000, s6, s5, $0x38;
	[tilespmem:$0x10000] =	vst v63  }
0xd2: {  	s0 =	rddreg [dreg:$0xa]  }
0xd3: {  	[hbm4b:s0+s5] =	stream.strided.scatter [tilespmem:s2], [sflag:$0x3], $0x10000, s6, s5, $0x38;
	[tilespmem:$0x10000] =	vst v63  }
0xd4: {  	s10 =	rddreg [dreg:$0xb]  }
0xd5: {  	[hbm4b:s10+s5] =	stream.strided.scatter [tilespmem:s2], [sflag:$0x3], $0x10000, s6, s5, $0x38;
	[tilespmem:$0x10000] =	vst v63  }
0xd6: {  	s0 =	rddreg [dreg:$0xc]  }
0xd7: {  	[hbm4b:s0+s5] =	stream.strided.scatter [tilespmem:s2], [sflag:$0x3], $0x10000, s6, s5, $0x38;
	[tilespmem:$0x10000] =	vst v63  }
0xd8: {  	s10 =	rddreg [dreg:$0xd]  }
0xd9: {  	[hbm4b:s10+s5] =	stream.strided.scatter [tilespmem:s2], [sflag:$0x3], $0x10000, s6, s5, $0x38;
	[tilespmem:$0x10000] =	vst v63  }
0xda: {  	s0 =	rddreg [dreg:$0xe]  }
0xdb: {  	[hbm4b:s0+s5] =	stream.strided.scatter [tilespmem:s2], [sflag:$0x3], $0x10000, s6, s5, $0x38;
	[tilespmem:$0x10000] =	vst v63  }
0xdc: {  	s10 =	rddreg [dreg:$0xf]  }
0xdd: {  	[hbm4b:s10+s5] =	stream.strided.scatter [tilespmem:s2], [sflag:$0x3], $0x10000, s6, s5, $0x38;
	[tilespmem:$0x10000] =	vst v63  }
0xde: {  	s0 =	rddreg [dreg:$0x10]  }
0xdf: {  	[hbm4b:s0+s5] =	stream.strided.scatter [tilespmem:s2], [sflag:$0x3], $0x10000, s6, s5, $0x38;
	[tilespmem:$0x10000] =	vst v63  }
0xe0: {  	s10 =	rddreg [dreg:$0x11]  }
0xe1: {  	[hbm4b:s10+s5] =	stream.strided.scatter [tilespmem:s2], [sflag:$0x3], $0x10000, s6, s5, $0x38;
	[tilespmem:$0x10000] =	vst v63  }
0xe2: {  	s0 =	rddreg [dreg:$0x12]  }
0xe3: {  	[hbm4b:s0+s5] =	stream.strided.scatter [tilespmem:s2], [sflag:$0x3], $0x10000, s6, s5, $0x38;
	[tilespmem:$0x10000] =	vst v63  }
0xe4: {  	s10 =	rddreg [dreg:$0x13]  }
0xe5: {  	[hbm4b:s10+s5] =	stream.strided.scatter [tilespmem:s2], [sflag:$0x3], $0x10000, s6, s5, $0x38;
	[tilespmem:$0x10000] =	vst v63  }
0xe6: {  	s0 =	rddreg [dreg:$0x14]  }
0xe7: {  	[hbm4b:s0+s5] =	stream.strided.scatter [tilespmem:s2], [sflag:$0x3], $0x10000, s6, s5, $0x38;
	[tilespmem:$0x10000] =	vst v63  }
0xe8: {  	s10 =	rddreg [dreg:$0x15]  }
0xe9: {  	[hbm4b:s10+s5] =	stream.strided.scatter [tilespmem:s2], [sflag:$0x3], $0x10000, s6, s5, $0x38;
	[tilespmem:$0x10000] =	vst v63  }
0xea: {  	_ =	swait.ge [sflag:s4], $0x80000  }
0xeb: {  	[sflag:s4] =	ssyncset.done $0x0  }
0xec: {  	[sflag:s4] =	ssyncadd.s32 $0xFFF80000  }
0xed: {  	_ =	swait.ge [sflag:s3], $0x10000  }
0xee: {  	[sflag:s3] =	ssyncset.done $0x0  }
0xef: {  	[sflag:s3] =	ssyncadd.s32 $0xFFFF0000  }
0xf0: {  	_ =	swait.ge [sflag:s3], $0x10000  }
0xf1: {  	[sflag:s3] =	ssyncset.done $0x0  }
0xf2: {  	[sflag:s3] =	ssyncadd.s32 $0xFFFF0000  }
0xf3: {  	_ =	swait.ge [sflag:s3], $0x10000  }
0xf4: {  	[sflag:s3] =	ssyncset.done $0x0  }
0xf5: {  	[sflag:s3] =	ssyncadd.s32 $0xFFFF0000  }
0xf6: {  	_ =	swait.ge [sflag:s3], $0x10000  }
0xf7: {  	[sflag:s3] =	ssyncset.done $0x0  }
0xf8: {  	[sflag:s3] =	ssyncadd.s32 $0xFFFF0000  }
0xf9: {  	_ =	swait.ge [sflag:s3], $0x10000  }
0xfa: {  	[sflag:s3] =	ssyncset.done $0x0  }
0xfb: {  	[sflag:s3] =	ssyncadd.s32 $0xFFFF0000  }
0xfc: {  	_ =	swait.ge [sflag:s3], $0x10000  }
0xfd: {  	[sflag:s3] =	ssyncset.done $0x0  }
0xfe: {  	[sflag:s3] =	ssyncadd.s32 $0xFFFF0000  }
0xff: {  	_ =	swait.ge [sflag:s3], $0x10000  }
0x100: {  	[sflag:s3] =	ssyncset.done $0x0  }
0x101: {  	[sflag:s3] =	ssyncadd.s32 $0xFFFF0000  }
0x102: {  	_ =	swait.ge [sflag:s3], $0x10000  }
0x103: {  	[sflag:s3] =	ssyncset.done $0x0  }
0x104: {  	[sflag:s3] =	ssyncadd.s32 $0xFFFF0000  }
0x105: {  	_ =	swait.ge [sflag:s3], $0x10000  }
0x106: {  	[sflag:s3] =	ssyncset.done $0x0  }
0x107: {  	[sflag:s3] =	ssyncadd.s32 $0xFFFF0000  }
0x108: {  	_ =	swait.ge [sflag:s3], $0x10000  }
0x109: {  	[sflag:s3] =	ssyncset.done $0x0  }
0x10a: {  	[sflag:s3] =	ssyncadd.s32 $0xFFFF0000  }
0x10b: {  	_ =	swait.ge [sflag:s3], $0x10000  }
0x10c: {  	[sflag:s3] =	ssyncset.done $0x0  }
0x10d: {  	[sflag:s3] =	ssyncadd.s32 $0xFFFF0000  }
0x10e: {  	_ =	swait.ge [sflag:s3], $0x10000  }
0x10f: {  	[sflag:s3] =	ssyncset.done $0x0  }
0x110: {  	[sflag:s3] =	ssyncadd.s32 $0xFFFF0000  }
0x111: {  	_ =	swait.ge [sflag:s3], $0x10000  }
0x112: {  	[sflag:s3] =	ssyncset.done $0x0  }
0x113: {  	[sflag:s3] =	ssyncadd.s32 $0xFFFF0000  }
0x114: {  	_ =	swait.ge [sflag:s3], $0x10000  }
0x115: {  	[sflag:s3] =	ssyncset.done $0x0  }
0x116: {  	[sflag:s3] =	ssyncadd.s32 $0xFFFF0000  }
0x117: {  	_ =	swait.ge [sflag:s3], $0x10000  }
0x118: {  	s10 =	sld [smem:$0x7FB];
	_ =	sdelay $0x2  }
0x119: {  	p1 =	sne.s32 s10, $0x1  }
.Ltmp1:
0x11a: {  	_ = 	snop;
	(pc) =	sbr.rel @!p1 .LBB2_2-.Ltmp1, $4  }
0x11b: {  	[sflag:s3] =	ssyncset.done $0x0  }
0x11c: {  	[sflag:s3] =	ssyncadd.s32 $0xFFFF0000  }
0x11d: {  	_ =	swait.ge [sflag:s3], $0x10000  }
0x11e: {  	p0 =	por $0x1, $0x1;
	s1 =	sadd.s32 $0xFFFFFFFF, s10;
	[sflag:s3] =	ssyncset.done $0x0  }
.LBB2_3:
0x11f: {  	s0 =	rddreg [dreg:$0x16];
	[sflag:s3] =	ssyncadd.s32 $0xFFFF0000  }
0x120: {  	[tilespmem:s2], [sflag:$0x1] =	stream.linear.gather [hbm4b:s9+s2], $0x800, $0x38;
	[tilespmem:$0x10000] =	vst v63  }
0x121: {  	s10 =	rddreg [dreg:$0x17]  }
0x122: {  	[tilespmem:s0], [sflag:$0x1] =	stream.linear.gather [hbm4b:s9+s2], $0x800, $0x38;
	[tilespmem:$0x10000] =	vst v63  }
0x123: {  	s0 =	rddreg [dreg:$0x18]  }
0x124: {  	[tilespmem:s10], [sflag:$0x1] =	stream.linear.gather [hbm4b:s9+s2], $0x800, $0x38;
	[tilespmem:$0x10000] =	vst v63  }
0x125: {  	s10 =	rddreg [dreg:$0x19]  }
0x126: {  	[tilespmem:s0], [sflag:$0x1] =	stream.linear.gather [hbm4b:s9+s2], $0x800, $0x38;
	[tilespmem:$0x10000] =	vst v63  }
0x127: {  	s0 =	rddreg [dreg:$0x1a]  }
0x128: {  	[tilespmem:s10], [sflag:$0x1] =	stream.linear.gather [hbm4b:s9+s2], $0x800, $0x38;
	[tilespmem:$0x10000] =	vst v63  }
0x129: {  	s10 =	rddreg [dreg:$0x1b]  }
0x12a: {  	[tilespmem:s0], [sflag:$0x1] =	stream.linear.gather [hbm4b:s9+s2], $0x800, $0x38;
	[tilespmem:$0x10000] =	vst v63  }
0x12b: {  	s0 =	rddreg [dreg:$0x1c]  }
0x12c: {  	[tilespmem:s10], [sflag:$0x1] =	stream.linear.gather [hbm4b:s9+s2], $0x800, $0x38;
	[tilespmem:$0x10000] =	vst v63  }
0x12d: {  	s10 =	rddreg [dreg:$0x1d]  }
0x12e: {  	[tilespmem:s0], [sflag:$0x1] =	stream.linear.gather [hbm4b:s9+s2], $0x800, $0x38;
	[tilespmem:$0x10000] =	vst v63  }
0x12f: {  	s0 =	rddreg [dreg:$0x1e]  }
0x130: {  	[tilespmem:s10], [sflag:$0x1] =	stream.linear.gather [hbm4b:s9+s2], $0x800, $0x38;
	[tilespmem:$0x10000] =	vst v63  }
0x131: {  	s10 =	rddreg [dreg:$0x1f]  }
0x132: {  	[tilespmem:s0], [sflag:$0x1] =	stream.linear.gather [hbm4b:s9+s2], $0x800, $0x38;
	[tilespmem:$0x10000] =	vst v63  }
0x133: {  	s0 =	sld [smem:$0x7FC]  }
0x134: {  	[tilespmem:s10], [sflag:$0x1] =	stream.linear.gather [hbm4b:s9+s2], $0x800, $0x38;
	[tilespmem:$0x10000] =	vst v63  }
0x135: {  	s10 =	sld [smem:$0x7FD]  }
0x136: {  	[tilespmem:s0], [sflag:$0x1] =	stream.linear.gather [hbm4b:s9+s2], $0x800, $0x38;
	[tilespmem:$0x10000] =	vst v63  }
0x137: {  	_ = 	snop  }
0x138: {  	[tilespmem:s10], [sflag:$0x1] =	stream.linear.gather [hbm4b:s9+s2], $0x800, $0x38;
	[tilespmem:$0x10000] =	vst v63  }
0x139: {  	_ = 	snop  }
0x13a: {  	[tilespmem:s12], [sflag:$0x1] =	stream.linear.gather [hbm4b:s9+s2], $0x800, $0x38;
	[tilespmem:$0x10000] =	vst v63  }
0x13b: {  	_ = 	snop  }
0x13c: {  	[tilespmem:s13], [sflag:$0x1] =	stream.linear.gather [hbm4b:s9+s2], $0x800, $0x38;
	[tilespmem:$0x10000] =	vst v63  }
0x13d: {  	_ = 	snop  }
0x13e: {  	[tilespmem:s14], [sflag:$0x1] =	stream.linear.gather [hbm4b:s9+s2], $0x800, $0x38;
	[tilespmem:$0x10000] =	vst v63  }
0x13f: {  	_ = 	snop  }
0x140: {  	[tilespmem:s15], [sflag:$0x1] =	stream.linear.gather [hbm4b:s9+s2], $0x800, $0x38;
	[tilespmem:$0x10000] =	vst v63  }
0x141: {  	_ = 	snop  }
0x142: {  	[tilespmem:s16], [sflag:$0x1] =	stream.linear.gather [hbm4b:s9+s2], $0x800, $0x38;
	[tilespmem:$0x10000] =	vst v63  }
0x143: {  	_ = 	snop  }
0x144: {  	[tilespmem:s17], [sflag:$0x1] =	stream.linear.gather [hbm4b:s9+s2], $0x800, $0x38;
	[tilespmem:$0x10000] =	vst v63  }
0x145: {  	_ = 	snop  }
0x146: {  	[tilespmem:s18], [sflag:$0x1] =	stream.linear.gather [hbm4b:s9+s2], $0x800, $0x38;
	[tilespmem:$0x10000] =	vst v63  }
0x147: {  	_ = 	snop  }
0x148: {  	[tilespmem:s19], [sflag:$0x1] =	stream.linear.gather [hbm4b:s9+s2], $0x800, $0x38;
	[tilespmem:$0x10000] =	vst v63  }
0x149: {  	_ = 	snop  }
0x14a: {  	[tilespmem:s20], [sflag:$0x1] =	stream.linear.gather [hbm4b:s9+s2], $0x800, $0x38;
	[tilespmem:$0x10000] =	vst v63  }
0x14b: {  	_ = 	snop  }
0x14c: {  	[tilespmem:s21], [sflag:$0x1] =	stream.linear.gather [hbm4b:s9+s2], $0x800, $0x38;
	[tilespmem:$0x10000] =	vst v63  }
0x14d: {  	_ = 	snop  }
0x14e: {  	[tilespmem:s22], [sflag:$0x1] =	stream.linear.gather [hbm4b:s9+s2], $0x800, $0x38;
	[tilespmem:$0x10000] =	vst v63  }
0x14f: {  	_ = 	snop  }
0x150: {  	[tilespmem:s23], [sflag:$0x1] =	stream.linear.gather [hbm4b:s9+s2], $0x800, $0x38;
	[tilespmem:$0x10000] =	vst v63  }
0x151: {  	_ = 	snop  }
0x152: {  	[tilespmem:s24], [sflag:$0x1] =	stream.linear.gather [hbm4b:s9+s2], $0x800, $0x38;
	[tilespmem:$0x10000] =	vst v63  }
0x153: {  	_ = 	snop  }
0x154: {  	[tilespmem:s25], [sflag:$0x1] =	stream.linear.gather [hbm4b:s9+s2], $0x800, $0x38;
	[tilespmem:$0x10000] =	vst v63  }
0x155: {  	_ = 	snop  }
0x156: {  	[tilespmem:s26], [sflag:$0x1] =	stream.linear.gather [hbm4b:s9+s2], $0x800, $0x38;
	[tilespmem:$0x10000] =	vst v63  }
0x157: {  	_ = 	snop  }
0x158: {  	[tilespmem:s28], [sflag:$0x1] =	stream.linear.gather [hbm4b:s9+s2], $0x800, $0x38;
	[tilespmem:$0x10000] =	vst v63  }
0x159: {  	_ = 	snop  }
0x15a: {  	[tilespmem:s29], [sflag:$0x1] =	stream.linear.gather [hbm4b:s9+s2], $0x800, $0x38;
	[tilespmem:$0x10000] =	vst v63  }
0x15b: {  	s0 =	rddreg [dreg:$0x5]  }
0x15c: {  	[tilespmem:s11], [sflag:$0x1] =	stream.linear.gather [hbm4b:s9+s2], $0x800, $0x38;
	[tilespmem:$0x10000] =	vst v63  }
0x15d: {  	s10 =	rddreg [dreg:$0x4];
	s11 =	simm.s32 $0xF800  }
0x15e: {  	[tilespmem:s11], [sflag:$0x1] =	stream.linear.gather [hbm4b:s9+s2], $0x800, $0x38;
	[tilespmem:$0x10000] =	vst v63  }
0x15f: {  	[hbm:s8@s30], [sflag:s0] =	dma.strided [hbm:s10@s31], $0x80000, s7, $0x10   }
0x160: {  	_ =	swait.ge [sflag:s7], $0x800  }
0x161: {  	[sflag:s7] =	ssyncset.done $0x0  }
0x162: {  	[sflag:s7] =	ssyncadd.s32 $0xFFFFF800  }
0x163: {  	_ =	swait.ge [sflag:s7], $0x800  }
0x164: {  	[sflag:s7] =	ssyncset.done $0x0  }
0x165: {  	[sflag:s7] =	ssyncadd.s32 $0xFFFFF800  }
0x166: {  	_ =	swait.ge [sflag:s7], $0x800  }
0x167: {  	[sflag:s7] =	ssyncset.done $0x0  }
0x168: {  	[sflag:s7] =	ssyncadd.s32 $0xFFFFF800  }
0x169: {  	_ =	swait.ge [sflag:s7], $0x800  }
0x16a: {  	[sflag:s7] =	ssyncset.done $0x0  }
0x16b: {  	[sflag:s7] =	ssyncadd.s32 $0xFFFFF800  }
0x16c: {  	_ =	swait.ge [sflag:s7], $0x800  }
0x16d: {  	[sflag:s7] =	ssyncset.done $0x0  }
0x16e: {  	[sflag:s7] =	ssyncadd.s32 $0xFFFFF800  }
0x16f: {  	_ =	swait.ge [sflag:s7], $0x800  }
0x170: {  	[sflag:s7] =	ssyncset.done $0x0  }
0x171: {  	[sflag:s7] =	ssyncadd.s32 $0xFFFFF800  }
0x172: {  	_ =	swait.ge [sflag:s7], $0x800  }
0x173: {  	[sflag:s7] =	ssyncset.done $0x0  }
0x174: {  	[sflag:s7] =	ssyncadd.s32 $0xFFFFF800  }
0x175: {  	_ =	swait.ge [sflag:s7], $0x800  }
0x176: {  	[sflag:s7] =	ssyncset.done $0x0  }
0x177: {  	[sflag:s7] =	ssyncadd.s32 $0xFFFFF800  }
0x178: {  	_ =	swait.ge [sflag:s7], $0x800  }
0x179: {  	[sflag:s7] =	ssyncset.done $0x0  }
0x17a: {  	[sflag:s7] =	ssyncadd.s32 $0xFFFFF800  }
0x17b: {  	_ =	swait.ge [sflag:s7], $0x800  }
0x17c: {  	[sflag:s7] =	ssyncset.done $0x0  }
0x17d: {  	[sflag:s7] =	ssyncadd.s32 $0xFFFFF800  }
0x17e: {  	_ =	swait.ge [sflag:s7], $0x800  }
0x17f: {  	[sflag:s7] =	ssyncset.done $0x0  }
0x180: {  	[sflag:s7] =	ssyncadd.s32 $0xFFFFF800  }
0x181: {  	_ =	swait.ge [sflag:s7], $0x800  }
0x182: {  	[sflag:s7] =	ssyncset.done $0x0  }
0x183: {  	[sflag:s7] =	ssyncadd.s32 $0xFFFFF800  }
0x184: {  	_ =	swait.ge [sflag:s7], $0x800  }
0x185: {  	[sflag:s7] =	ssyncset.done $0x0  }
0x186: {  	[sflag:s7] =	ssyncadd.s32 $0xFFFFF800  }
0x187: {  	_ =	swait.ge [sflag:s7], $0x800  }
0x188: {  	[sflag:s7] =	ssyncset.done $0x0  }
0x189: {  	[sflag:s7] =	ssyncadd.s32 $0xFFFFF800  }
0x18a: {  	_ =	swait.ge [sflag:s7], $0x800  }
0x18b: {  	[sflag:s7] =	ssyncset.done $0x0  }
0x18c: {  	[sflag:s7] =	ssyncadd.s32 $0xFFFFF800  }
0x18d: {  	_ =	swait.ge [sflag:s7], $0x800  }
0x18e: {  	[sflag:s7] =	ssyncset.done $0x0  }
0x18f: {  	[sflag:s7] =	ssyncadd.s32 $0xFFFFF800  }
0x190: {  	_ =	swait.ge [sflag:s7], $0x800  }
0x191: {  	[sflag:s7] =	ssyncset.done $0x0  }
0x192: {  	[sflag:s7] =	ssyncadd.s32 $0xFFFFF800  }
0x193: {  	_ =	swait.ge [sflag:s7], $0x800  }
0x194: {  	[sflag:s7] =	ssyncset.done $0x0  }
0x195: {  	[sflag:s7] =	ssyncadd.s32 $0xFFFFF800  }
0x196: {  	_ =	swait.ge [sflag:s7], $0x800  }
0x197: {  	[sflag:s7] =	ssyncset.done $0x0  }
0x198: {  	[sflag:s7] =	ssyncadd.s32 $0xFFFFF800  }
0x199: {  	_ =	swait.ge [sflag:s7], $0x800  }
0x19a: {  	[sflag:s7] =	ssyncset.done $0x0  }
0x19b: {  	[sflag:s7] =	ssyncadd.s32 $0xFFFFF800  }
0x19c: {  	_ =	swait.ge [sflag:s7], $0x800  }
0x19d: {  	[sflag:s7] =	ssyncset.done $0x0  }
0x19e: {  	[sflag:s7] =	ssyncadd.s32 $0xFFFFF800  }
0x19f: {  	_ =	swait.ge [sflag:s7], $0x800  }
0x1a0: {  	[sflag:s7] =	ssyncset.done $0x0  }
0x1a1: {  	[sflag:s7] =	ssyncadd.s32 $0xFFFFF800  }
0x1a2: {  	_ =	swait.ge [sflag:s7], $0x800  }
0x1a3: {  	[sflag:s7] =	ssyncset.done $0x0  }
0x1a4: {  	[sflag:s7] =	ssyncadd.s32 $0xFFFFF800  }
0x1a5: {  	_ =	swait.ge [sflag:s7], $0x800  }
0x1a6: {  	[sflag:s7] =	ssyncset.done $0x0  }
0x1a7: {  	[sflag:s7] =	ssyncadd.s32 $0xFFFFF800  }
0x1a8: {  	_ =	swait.ge [sflag:s7], $0x800  }
0x1a9: {  	[sflag:s7] =	ssyncset.done $0x0  }
0x1aa: {  	[sflag:s7] =	ssyncadd.s32 $0xFFFFF800  }
0x1ab: {  	_ =	swait.ge [sflag:s7], $0x800  }
0x1ac: {  	[sflag:s7] =	ssyncset.done $0x0  }
0x1ad: {  	[sflag:s7] =	ssyncadd.s32 $0xFFFFF800  }
0x1ae: {  	_ =	swait.ge [sflag:s7], $0x800  }
0x1af: {  	[sflag:s7] =	ssyncset.done $0x0  }
0x1b0: {  	[sflag:s7] =	ssyncadd.s32 $0xFFFFF800  }
0x1b1: {  	_ =	swait.ge [sflag:s7], $0x800  }
0x1b2: {  	[sflag:s7] =	ssyncset.done $0x0  }
0x1b3: {  	[sflag:s7] =	ssyncadd.s32 $0xFFFFF800  }
0x1b4: {  	_ =	swait.ge [sflag:s7], $0x800  }
0x1b5: {  	[sflag:s7] =	ssyncset.done $0x0  }
0x1b6: {  	[sflag:s7] =	ssyncadd.s32 $0xFFFFF800  }
0x1b7: {  	_ =	swait.ge [sflag:s7], $0x800  }
0x1b8: {  	[sflag:s7] =	ssyncset.done $0x0  }
0x1b9: {  	[sflag:s7] =	ssyncadd.s32 $0xFFFFF800  }
0x1ba: {  	_ =	swait.ge [sflag:s7], $0x800  }
0x1bb: {  	[sflag:s7] =	ssyncset.done $0x0  }
0x1bc: {  	[sflag:s7] =	ssyncadd.s32 $0xFFFFF800  }
0x1bd: {  	_ =	swait.ge [sflag:s7], $0x800  }
0x1be: {  	[sflag:s7] =	ssyncset.done $0x0  }
0x1bf: {  	s0 =	rddreg [dreg:$0x6];
	[sflag:s7] =	ssyncadd.s32 $0xFFFFF800  }
0x1c0: {  	[hbm4b:s0+s5] =	stream.strided.scatter [tilespmem:s2], [sflag:$0x3], $0x10000, s6, s5, $0x38;
	[tilespmem:$0x10000] =	vst v63  }
0x1c1: {  	s10 =	rddreg [dreg:$0x7]  }
0x1c2: {  	[hbm4b:s10+s5] =	stream.strided.scatter [tilespmem:s2], [sflag:$0x3], $0x10000, s6, s5, $0x38;
	[tilespmem:$0x10000] =	vst v63  }
0x1c3: {  	s0 =	rddreg [dreg:$0x8]  }
0x1c4: {  	[hbm4b:s0+s5] =	stream.strided.scatter [tilespmem:s2], [sflag:$0x3], $0x10000, s6, s5, $0x38;
	[tilespmem:$0x10000] =	vst v63  }
0x1c5: {  	s10 =	rddreg [dreg:$0x9]  }
0x1c6: {  	[hbm4b:s10+s5] =	stream.strided.scatter [tilespmem:s2], [sflag:$0x3], $0x10000, s6, s5, $0x38;
	[tilespmem:$0x10000] =	vst v63  }
0x1c7: {  	s0 =	rddreg [dreg:$0xa]  }
0x1c8: {  	[hbm4b:s0+s5] =	stream.strided.scatter [tilespmem:s2], [sflag:$0x3], $0x10000, s6, s5, $0x38;
	[tilespmem:$0x10000] =	vst v63  }
0x1c9: {  	s10 =	rddreg [dreg:$0xb]  }
0x1ca: {  	[hbm4b:s10+s5] =	stream.strided.scatter [tilespmem:s2], [sflag:$0x3], $0x10000, s6, s5, $0x38;
	[tilespmem:$0x10000] =	vst v63  }
0x1cb: {  	s0 =	rddreg [dreg:$0xc]  }
0x1cc: {  	[hbm4b:s0+s5] =	stream.strided.scatter [tilespmem:s2], [sflag:$0x3], $0x10000, s6, s5, $0x38;
	[tilespmem:$0x10000] =	vst v63  }
0x1cd: {  	s10 =	rddreg [dreg:$0xd]  }
0x1ce: {  	[hbm4b:s10+s5] =	stream.strided.scatter [tilespmem:s2], [sflag:$0x3], $0x10000, s6, s5, $0x38;
	[tilespmem:$0x10000] =	vst v63  }
0x1cf: {  	s0 =	rddreg [dreg:$0xe]  }
0x1d0: {  	[hbm4b:s0+s5] =	stream.strided.scatter [tilespmem:s2], [sflag:$0x3], $0x10000, s6, s5, $0x38;
	[tilespmem:$0x10000] =	vst v63  }
0x1d1: {  	s10 =	rddreg [dreg:$0xf]  }
0x1d2: {  	[hbm4b:s10+s5] =	stream.strided.scatter [tilespmem:s2], [sflag:$0x3], $0x10000, s6, s5, $0x38;
	[tilespmem:$0x10000] =	vst v63  }
0x1d3: {  	s0 =	rddreg [dreg:$0x10]  }
0x1d4: {  	[hbm4b:s0+s5] =	stream.strided.scatter [tilespmem:s2], [sflag:$0x3], $0x10000, s6, s5, $0x38;
	[tilespmem:$0x10000] =	vst v63  }
0x1d5: {  	s10 =	rddreg [dreg:$0x11]  }
0x1d6: {  	[hbm4b:s10+s5] =	stream.strided.scatter [tilespmem:s2], [sflag:$0x3], $0x10000, s6, s5, $0x38;
	[tilespmem:$0x10000] =	vst v63  }
0x1d7: {  	s0 =	rddreg [dreg:$0x12]  }
0x1d8: {  	[hbm4b:s0+s5] =	stream.strided.scatter [tilespmem:s2], [sflag:$0x3], $0x10000, s6, s5, $0x38;
	[tilespmem:$0x10000] =	vst v63  }
0x1d9: {  	s10 =	rddreg [dreg:$0x13]  }
0x1da: {  	[hbm4b:s10+s5] =	stream.strided.scatter [tilespmem:s2], [sflag:$0x3], $0x10000, s6, s5, $0x38;
	[tilespmem:$0x10000] =	vst v63  }
0x1db: {  	s0 =	rddreg [dreg:$0x14]  }
0x1dc: {  	[hbm4b:s0+s5] =	stream.strided.scatter [tilespmem:s2], [sflag:$0x3], $0x10000, s6, s5, $0x38;
	[tilespmem:$0x10000] =	vst v63  }
0x1dd: {  	s10 =	rddreg [dreg:$0x15]  }
0x1de: {  	[hbm4b:s10+s5] =	stream.strided.scatter [tilespmem:s2], [sflag:$0x3], $0x10000, s6, s5, $0x38;
	[tilespmem:$0x10000] =	vst v63  }
0x1df: {  	_ =	swait.ge [sflag:s4], $0x80000  }
0x1e0: {  	[sflag:s4] =	ssyncset.done $0x0  }
0x1e1: {  	[sflag:s4] =	ssyncadd.s32 $0xFFF80000  }
0x1e2: {  	_ =	swait.ge [sflag:s3], $0x10000  }
0x1e3: {  	[sflag:s3] =	ssyncset.done $0x0  }
0x1e4: {  	[sflag:s3] =	ssyncadd.s32 $0xFFFF0000  }
0x1e5: {  	_ =	swait.ge [sflag:s3], $0x10000  }
0x1e6: {  	[sflag:s3] =	ssyncset.done $0x0  }
0x1e7: {  	[sflag:s3] =	ssyncadd.s32 $0xFFFF0000  }
0x1e8: {  	_ =	swait.ge [sflag:s3], $0x10000  }
0x1e9: {  	[sflag:s3] =	ssyncset.done $0x0  }
0x1ea: {  	[sflag:s3] =	ssyncadd.s32 $0xFFFF0000  }
0x1eb: {  	_ =	swait.ge [sflag:s3], $0x10000  }
0x1ec: {  	[sflag:s3] =	ssyncset.done $0x0  }
0x1ed: {  	[sflag:s3] =	ssyncadd.s32 $0xFFFF0000  }
0x1ee: {  	_ =	swait.ge [sflag:s3], $0x10000  }
0x1ef: {  	[sflag:s3] =	ssyncset.done $0x0  }
0x1f0: {  	[sflag:s3] =	ssyncadd.s32 $0xFFFF0000  }
0x1f1: {  	_ =	swait.ge [sflag:s3], $0x10000  }
0x1f2: {  	[sflag:s3] =	ssyncset.done $0x0  }
0x1f3: {  	[sflag:s3] =	ssyncadd.s32 $0xFFFF0000  }
0x1f4: {  	_ =	swait.ge [sflag:s3], $0x10000  }
0x1f5: {  	[sflag:s3] =	ssyncset.done $0x0  }
0x1f6: {  	[sflag:s3] =	ssyncadd.s32 $0xFFFF0000  }
0x1f7: {  	_ =	swait.ge [sflag:s3], $0x10000  }
0x1f8: {  	[sflag:s3] =	ssyncset.done $0x0  }
0x1f9: {  	[sflag:s3] =	ssyncadd.s32 $0xFFFF0000  }
0x1fa: {  	_ =	swait.ge [sflag:s3], $0x10000  }
0x1fb: {  	[sflag:s3] =	ssyncset.done $0x0  }
0x1fc: {  	[sflag:s3] =	ssyncadd.s32 $0xFFFF0000  }
0x1fd: {  	_ =	swait.ge [sflag:s3], $0x10000  }
0x1fe: {  	[sflag:s3] =	ssyncset.done $0x0  }
0x1ff: {  	[sflag:s3] =	ssyncadd.s32 $0xFFFF0000  }
0x200: {  	_ =	swait.ge [sflag:s3], $0x10000  }
0x201: {  	[sflag:s3] =	ssyncset.done $0x0  }
0x202: {  	[sflag:s3] =	ssyncadd.s32 $0xFFFF0000  }
0x203: {  	_ =	swait.ge [sflag:s3], $0x10000  }
0x204: {  	[sflag:s3] =	ssyncset.done $0x0  }
0x205: {  	[sflag:s3] =	ssyncadd.s32 $0xFFFF0000  }
0x206: {  	_ =	swait.ge [sflag:s3], $0x10000  }
0x207: {  	[sflag:s3] =	ssyncset.done $0x0  }
0x208: {  	[sflag:s3] =	ssyncadd.s32 $0xFFFF0000  }
0x209: {  	_ =	swait.ge [sflag:s3], $0x10000  }
0x20a: {  	[sflag:s3] =	ssyncset.done $0x0  }
0x20b: {  	p1 =	sne.s32 s1, $0x1;
	[sflag:s3] =	ssyncadd.s32 $0xFFFF0000  }
.Ltmp2:
0x20c: {  	_ =	swait.ge [sflag:s3], $0x10000;
	(pc) =	sbr.rel @p1 .LBB2_3-.Ltmp2, $4  }
0x20d: {  	[sflag:s3] =	ssyncset.done $0x0  }
0x20e: {  	[sflag:s3] =	ssyncadd.s32 $0xFFFF0000  }
0x20f: {  	_ =	swait.ge [sflag:s3], $0x10000  }
0x210: {  	s1 =	sadd.s32 $0xFFFFFFFF, s1;
	s11 =	simm.s32 $0xF000;
	[sflag:s3] =	ssyncset.done $0x0  }
0x211: {  	s10 =	stileid.u32  }
.LBB2_5:
0x212: {  	[sflag:s3] =	ssyncadd.s32 @p0 $0xFFFF0000;
	s0 =	rddreg [dreg:$0x16]  }
0x213: {  	[tilespmem:s2], [sflag:$0x1] =	stream.linear.gather [hbm4b:s9+s2], $0x800, $0x38;
	[tilespmem:$0x10000] =	vst v63  }
0x214: {  	s1 =	rddreg [dreg:$0x17]  }
0x215: {  	[tilespmem:s0], [sflag:$0x1] =	stream.linear.gather [hbm4b:s9+s2], $0x800, $0x38;
	[tilespmem:$0x10000] =	vst v63  }
0x216: {  	s0 =	rddreg [dreg:$0x18]  }
0x217: {  	[tilespmem:s1], [sflag:$0x1] =	stream.linear.gather [hbm4b:s9+s2], $0x800, $0x38;
	[tilespmem:$0x10000] =	vst v63  }
0x218: {  	s1 =	rddreg [dreg:$0x19]  }
0x219: {  	[tilespmem:s0], [sflag:$0x1] =	stream.linear.gather [hbm4b:s9+s2], $0x800, $0x38;
	[tilespmem:$0x10000] =	vst v63  }
0x21a: {  	s0 =	rddreg [dreg:$0x1a]  }
0x21b: {  	[tilespmem:s1], [sflag:$0x1] =	stream.linear.gather [hbm4b:s9+s2], $0x800, $0x38;
	[tilespmem:$0x10000] =	vst v63  }
0x21c: {  	s1 =	rddreg [dreg:$0x1b]  }
0x21d: {  	[tilespmem:s0], [sflag:$0x1] =	stream.linear.gather [hbm4b:s9+s2], $0x800, $0x38;
	[tilespmem:$0x10000] =	vst v63  }
0x21e: {  	s0 =	rddreg [dreg:$0x1c]  }
0x21f: {  	[tilespmem:s1], [sflag:$0x1] =	stream.linear.gather [hbm4b:s9+s2], $0x800, $0x38;
	[tilespmem:$0x10000] =	vst v63  }
0x220: {  	s1 =	rddreg [dreg:$0x1d]  }
0x221: {  	[tilespmem:s0], [sflag:$0x1] =	stream.linear.gather [hbm4b:s9+s2], $0x800, $0x38;
	[tilespmem:$0x10000] =	vst v63  }
0x222: {  	s0 =	rddreg [dreg:$0x1e]  }
0x223: {  	[tilespmem:s1], [sflag:$0x1] =	stream.linear.gather [hbm4b:s9+s2], $0x800, $0x38;
	[tilespmem:$0x10000] =	vst v63  }
0x224: {  	s1 =	rddreg [dreg:$0x1f]  }
0x225: {  	[tilespmem:s0], [sflag:$0x1] =	stream.linear.gather [hbm4b:s9+s2], $0x800, $0x38;
	[tilespmem:$0x10000] =	vst v63  }
0x226: {  	s0 =	sld [smem:$0x7FC]  }
0x227: {  	[tilespmem:s1], [sflag:$0x1] =	stream.linear.gather [hbm4b:s9+s2], $0x800, $0x38;
	[tilespmem:$0x10000] =	vst v63  }
0x228: {  	s1 =	sld [smem:$0x7FD]  }
0x229: {  	[tilespmem:s0], [sflag:$0x1] =	stream.linear.gather [hbm4b:s9+s2], $0x800, $0x38;
	[tilespmem:$0x10000] =	vst v63  }
0x22a: {  	_ = 	snop  }
0x22b: {  	[tilespmem:s1], [sflag:$0x1] =	stream.linear.gather [hbm4b:s9+s2], $0x800, $0x38;
	[tilespmem:$0x10000] =	vst v63  }
0x22c: {  	_ = 	snop  }
0x22d: {  	[tilespmem:s12], [sflag:$0x1] =	stream.linear.gather [hbm4b:s9+s2], $0x800, $0x38;
	[tilespmem:$0x10000] =	vst v63  }
0x22e: {  	_ = 	snop  }
0x22f: {  	[tilespmem:s13], [sflag:$0x1] =	stream.linear.gather [hbm4b:s9+s2], $0x800, $0x38;
	[tilespmem:$0x10000] =	vst v63  }
0x230: {  	_ = 	snop  }
0x231: {  	[tilespmem:s14], [sflag:$0x1] =	stream.linear.gather [hbm4b:s9+s2], $0x800, $0x38;
	[tilespmem:$0x10000] =	vst v63  }
0x232: {  	_ = 	snop  }
0x233: {  	[tilespmem:s15], [sflag:$0x1] =	stream.linear.gather [hbm4b:s9+s2], $0x800, $0x38;
	[tilespmem:$0x10000] =	vst v63  }
0x234: {  	_ = 	snop  }
0x235: {  	[tilespmem:s16], [sflag:$0x1] =	stream.linear.gather [hbm4b:s9+s2], $0x800, $0x38;
	[tilespmem:$0x10000] =	vst v63  }
0x236: {  	_ = 	snop  }
0x237: {  	[tilespmem:s17], [sflag:$0x1] =	stream.linear.gather [hbm4b:s9+s2], $0x800, $0x38;
	[tilespmem:$0x10000] =	vst v63  }
0x238: {  	_ = 	snop  }
0x239: {  	[tilespmem:s18], [sflag:$0x1] =	stream.linear.gather [hbm4b:s9+s2], $0x800, $0x38;
	[tilespmem:$0x10000] =	vst v63  }
0x23a: {  	_ = 	snop  }
0x23b: {  	[tilespmem:s19], [sflag:$0x1] =	stream.linear.gather [hbm4b:s9+s2], $0x800, $0x38;
	[tilespmem:$0x10000] =	vst v63  }
0x23c: {  	_ = 	snop  }
0x23d: {  	[tilespmem:s20], [sflag:$0x1] =	stream.linear.gather [hbm4b:s9+s2], $0x800, $0x38;
	[tilespmem:$0x10000] =	vst v63  }
0x23e: {  	_ = 	snop  }
0x23f: {  	[tilespmem:s21], [sflag:$0x1] =	stream.linear.gather [hbm4b:s9+s2], $0x800, $0x38;
	[tilespmem:$0x10000] =	vst v63  }
0x240: {  	_ = 	snop  }
0x241: {  	[tilespmem:s22], [sflag:$0x1] =	stream.linear.gather [hbm4b:s9+s2], $0x800, $0x38;
	[tilespmem:$0x10000] =	vst v63  }
0x242: {  	_ = 	snop  }
0x243: {  	[tilespmem:s23], [sflag:$0x1] =	stream.linear.gather [hbm4b:s9+s2], $0x800, $0x38;
	[tilespmem:$0x10000] =	vst v63  }
0x244: {  	_ = 	snop  }
0x245: {  	[tilespmem:s24], [sflag:$0x1] =	stream.linear.gather [hbm4b:s9+s2], $0x800, $0x38;
	[tilespmem:$0x10000] =	vst v63  }
0x246: {  	_ = 	snop  }
0x247: {  	[tilespmem:s25], [sflag:$0x1] =	stream.linear.gather [hbm4b:s9+s2], $0x800, $0x38;
	[tilespmem:$0x10000] =	vst v63  }
0x248: {  	_ = 	snop  }
0x249: {  	[tilespmem:s26], [sflag:$0x1] =	stream.linear.gather [hbm4b:s9+s2], $0x800, $0x38;
	[tilespmem:$0x10000] =	vst v63  }
0x24a: {  	_ = 	snop  }
0x24b: {  	[tilespmem:s28], [sflag:$0x1] =	stream.linear.gather [hbm4b:s9+s2], $0x800, $0x38;
	[tilespmem:$0x10000] =	vst v63  }
0x24c: {  	_ = 	snop  }
0x24d: {  	[tilespmem:s29], [sflag:$0x1] =	stream.linear.gather [hbm4b:s9+s2], $0x800, $0x38;
	[tilespmem:$0x10000] =	vst v63  }
0x24e: {  	s12 =	rddreg [dreg:$0x5]  }
0x24f: {  	[tilespmem:s11], [sflag:$0x1] =	stream.linear.gather [hbm4b:s9+s2], $0x800, $0x38;
	[tilespmem:$0x10000] =	vst v63  }
0x250: {  	s13 =	rddreg [dreg:$0x4];
	s14 =	simm.s32 $0xF800  }
0x251: {  	[tilespmem:s14], [sflag:$0x1] =	stream.linear.gather [hbm4b:s9+s2], $0x800, $0x38;
	[tilespmem:$0x10000] =	vst v63  }
0x252: {  	[hbm:s8@s30], [sflag:s12] =	dma.strided [hbm:s13@s31], $0x80000, s7, $0x10   }
0x253: {  	_ =	swait.ge [sflag:s7], $0x800  }
0x254: {  	[sflag:s7] =	ssyncset.done $0x0  }
0x255: {  	[sflag:s7] =	ssyncadd.s32 $0xFFFFF800  }
0x256: {  	_ =	swait.ge [sflag:s7], $0x800  }
0x257: {  	[sflag:s7] =	ssyncset.done $0x0  }
0x258: {  	[sflag:s7] =	ssyncadd.s32 $0xFFFFF800  }
0x259: {  	_ =	swait.ge [sflag:s7], $0x800  }
0x25a: {  	[sflag:s7] =	ssyncset.done $0x0  }
0x25b: {  	[sflag:s7] =	ssyncadd.s32 $0xFFFFF800  }
0x25c: {  	_ =	swait.ge [sflag:s7], $0x800  }
0x25d: {  	[sflag:s7] =	ssyncset.done $0x0  }
0x25e: {  	[sflag:s7] =	ssyncadd.s32 $0xFFFFF800  }
0x25f: {  	_ =	swait.ge [sflag:s7], $0x800  }
0x260: {  	[sflag:s7] =	ssyncset.done $0x0  }
0x261: {  	[sflag:s7] =	ssyncadd.s32 $0xFFFFF800  }
0x262: {  	_ =	swait.ge [sflag:s7], $0x800  }
0x263: {  	[sflag:s7] =	ssyncset.done $0x0  }
0x264: {  	[sflag:s7] =	ssyncadd.s32 $0xFFFFF800  }
0x265: {  	_ =	swait.ge [sflag:s7], $0x800  }
0x266: {  	[sflag:s7] =	ssyncset.done $0x0  }
0x267: {  	[sflag:s7] =	ssyncadd.s32 $0xFFFFF800  }
0x268: {  	_ =	swait.ge [sflag:s7], $0x800  }
0x269: {  	[sflag:s7] =	ssyncset.done $0x0  }
0x26a: {  	[sflag:s7] =	ssyncadd.s32 $0xFFFFF800  }
0x26b: {  	_ =	swait.ge [sflag:s7], $0x800  }
0x26c: {  	[sflag:s7] =	ssyncset.done $0x0  }
0x26d: {  	[sflag:s7] =	ssyncadd.s32 $0xFFFFF800  }
0x26e: {  	_ =	swait.ge [sflag:s7], $0x800  }
0x26f: {  	[sflag:s7] =	ssyncset.done $0x0  }
0x270: {  	[sflag:s7] =	ssyncadd.s32 $0xFFFFF800  }
0x271: {  	_ =	swait.ge [sflag:s7], $0x800  }
0x272: {  	[sflag:s7] =	ssyncset.done $0x0  }
0x273: {  	[sflag:s7] =	ssyncadd.s32 $0xFFFFF800  }
0x274: {  	_ =	swait.ge [sflag:s7], $0x800  }
0x275: {  	[sflag:s7] =	ssyncset.done $0x0  }
0x276: {  	[sflag:s7] =	ssyncadd.s32 $0xFFFFF800  }
0x277: {  	_ =	swait.ge [sflag:s7], $0x800  }
0x278: {  	[sflag:s7] =	ssyncset.done $0x0  }
0x279: {  	[sflag:s7] =	ssyncadd.s32 $0xFFFFF800  }
0x27a: {  	_ =	swait.ge [sflag:s7], $0x800  }
0x27b: {  	[sflag:s7] =	ssyncset.done $0x0  }
0x27c: {  	[sflag:s7] =	ssyncadd.s32 $0xFFFFF800  }
0x27d: {  	_ =	swait.ge [sflag:s7], $0x800  }
0x27e: {  	[sflag:s7] =	ssyncset.done $0x0  }
0x27f: {  	[sflag:s7] =	ssyncadd.s32 $0xFFFFF800  }
0x280: {  	_ =	swait.ge [sflag:s7], $0x800  }
0x281: {  	[sflag:s7] =	ssyncset.done $0x0  }
0x282: {  	[sflag:s7] =	ssyncadd.s32 $0xFFFFF800  }
0x283: {  	_ =	swait.ge [sflag:s7], $0x800  }
0x284: {  	[sflag:s7] =	ssyncset.done $0x0  }
0x285: {  	[sflag:s7] =	ssyncadd.s32 $0xFFFFF800  }
0x286: {  	_ =	swait.ge [sflag:s7], $0x800  }
0x287: {  	[sflag:s7] =	ssyncset.done $0x0  }
0x288: {  	[sflag:s7] =	ssyncadd.s32 $0xFFFFF800  }
0x289: {  	_ =	swait.ge [sflag:s7], $0x800  }
0x28a: {  	[sflag:s7] =	ssyncset.done $0x0  }
0x28b: {  	[sflag:s7] =	ssyncadd.s32 $0xFFFFF800  }
0x28c: {  	_ =	swait.ge [sflag:s7], $0x800  }
0x28d: {  	[sflag:s7] =	ssyncset.done $0x0  }
0x28e: {  	[sflag:s7] =	ssyncadd.s32 $0xFFFFF800  }
0x28f: {  	_ =	swait.ge [sflag:s7], $0x800  }
0x290: {  	[sflag:s7] =	ssyncset.done $0x0  }
0x291: {  	[sflag:s7] =	ssyncadd.s32 $0xFFFFF800  }
0x292: {  	_ =	swait.ge [sflag:s7], $0x800  }
0x293: {  	[sflag:s7] =	ssyncset.done $0x0  }
0x294: {  	[sflag:s7] =	ssyncadd.s32 $0xFFFFF800  }
0x295: {  	_ =	swait.ge [sflag:s7], $0x800  }
0x296: {  	[sflag:s7] =	ssyncset.done $0x0  }
0x297: {  	[sflag:s7] =	ssyncadd.s32 $0xFFFFF800  }
0x298: {  	_ =	swait.ge [sflag:s7], $0x800  }
0x299: {  	[sflag:s7] =	ssyncset.done $0x0  }
0x29a: {  	[sflag:s7] =	ssyncadd.s32 $0xFFFFF800  }
0x29b: {  	_ =	swait.ge [sflag:s7], $0x800  }
0x29c: {  	[sflag:s7] =	ssyncset.done $0x0  }
0x29d: {  	[sflag:s7] =	ssyncadd.s32 $0xFFFFF800  }
0x29e: {  	_ =	swait.ge [sflag:s7], $0x800  }
0x29f: {  	[sflag:s7] =	ssyncset.done $0x0  }
0x2a0: {  	[sflag:s7] =	ssyncadd.s32 $0xFFFFF800  }
0x2a1: {  	_ =	swait.ge [sflag:s7], $0x800  }
0x2a2: {  	[sflag:s7] =	ssyncset.done $0x0  }
0x2a3: {  	[sflag:s7] =	ssyncadd.s32 $0xFFFFF800  }
0x2a4: {  	_ =	swait.ge [sflag:s7], $0x800  }
0x2a5: {  	[sflag:s7] =	ssyncset.done $0x0  }
0x2a6: {  	[sflag:s7] =	ssyncadd.s32 $0xFFFFF800  }
0x2a7: {  	_ =	swait.ge [sflag:s7], $0x800  }
0x2a8: {  	[sflag:s7] =	ssyncset.done $0x0  }
0x2a9: {  	[sflag:s7] =	ssyncadd.s32 $0xFFFFF800  }
0x2aa: {  	_ =	swait.ge [sflag:s7], $0x800  }
0x2ab: {  	[sflag:s7] =	ssyncset.done $0x0  }
0x2ac: {  	[sflag:s7] =	ssyncadd.s32 $0xFFFFF800  }
0x2ad: {  	_ =	swait.ge [sflag:s7], $0x800  }
0x2ae: {  	[sflag:s7] =	ssyncset.done $0x0  }
0x2af: {  	[sflag:s7] =	ssyncadd.s32 $0xFFFFF800  }
0x2b0: {  	_ =	swait.ge [sflag:s7], $0x800  }
0x2b1: {  	[sflag:s7] =	ssyncset.done $0x0  }
0x2b2: {  	s15 =	rddreg [dreg:$0x6];
	[sflag:s7] =	ssyncadd.s32 $0xFFFFF800  }
0x2b3: {  	[hbm4b:s15+s5] =	stream.strided.scatter [tilespmem:s2], [sflag:$0x3], $0x10000, s6, s5, $0x38;
	[tilespmem:$0x10000] =	vst v63  }
0x2b4: {  	s16 =	rddreg [dreg:$0x7]  }
0x2b5: {  	[hbm4b:s16+s5] =	stream.strided.scatter [tilespmem:s2], [sflag:$0x3], $0x10000, s6, s5, $0x38;
	[tilespmem:$0x10000] =	vst v63  }
0x2b6: {  	s17 =	rddreg [dreg:$0x8]  }
0x2b7: {  	[hbm4b:s17+s5] =	stream.strided.scatter [tilespmem:s2], [sflag:$0x3], $0x10000, s6, s5, $0x38;
	[tilespmem:$0x10000] =	vst v63  }
0x2b8: {  	s18 =	rddreg [dreg:$0x9]  }
0x2b9: {  	[hbm4b:s18+s5] =	stream.strided.scatter [tilespmem:s2], [sflag:$0x3], $0x10000, s6, s5, $0x38;
	[tilespmem:$0x10000] =	vst v63  }
0x2ba: {  	s19 =	rddreg [dreg:$0xa]  }
0x2bb: {  	[hbm4b:s19+s5] =	stream.strided.scatter [tilespmem:s2], [sflag:$0x3], $0x10000, s6, s5, $0x38;
	[tilespmem:$0x10000] =	vst v63  }
0x2bc: {  	s20 =	rddreg [dreg:$0xb]  }
0x2bd: {  	[hbm4b:s20+s5] =	stream.strided.scatter [tilespmem:s2], [sflag:$0x3], $0x10000, s6, s5, $0x38;
	[tilespmem:$0x10000] =	vst v63  }
0x2be: {  	s21 =	rddreg [dreg:$0xc]  }
0x2bf: {  	[hbm4b:s21+s5] =	stream.strided.scatter [tilespmem:s2], [sflag:$0x3], $0x10000, s6, s5, $0x38;
	[tilespmem:$0x10000] =	vst v63  }
0x2c0: {  	s22 =	rddreg [dreg:$0xd]  }
0x2c1: {  	[hbm4b:s22+s5] =	stream.strided.scatter [tilespmem:s2], [sflag:$0x3], $0x10000, s6, s5, $0x38;
	[tilespmem:$0x10000] =	vst v63  }
0x2c2: {  	s23 =	rddreg [dreg:$0xe]  }
0x2c3: {  	[hbm4b:s23+s5] =	stream.strided.scatter [tilespmem:s2], [sflag:$0x3], $0x10000, s6, s5, $0x38;
	[tilespmem:$0x10000] =	vst v63  }
0x2c4: {  	s24 =	rddreg [dreg:$0xf]  }
0x2c5: {  	[hbm4b:s24+s5] =	stream.strided.scatter [tilespmem:s2], [sflag:$0x3], $0x10000, s6, s5, $0x38;
	[tilespmem:$0x10000] =	vst v63  }
0x2c6: {  	s25 =	rddreg [dreg:$0x10]  }
0x2c7: {  	[hbm4b:s25+s5] =	stream.strided.scatter [tilespmem:s2], [sflag:$0x3], $0x10000, s6, s5, $0x38;
	[tilespmem:$0x10000] =	vst v63  }
0x2c8: {  	s26 =	rddreg [dreg:$0x11]  }
0x2c9: {  	[hbm4b:s26+s5] =	stream.strided.scatter [tilespmem:s2], [sflag:$0x3], $0x10000, s6, s5, $0x38;
	[tilespmem:$0x10000] =	vst v63  }
0x2ca: {  	s28 =	rddreg [dreg:$0x12]  }
0x2cb: {  	[hbm4b:s28+s5] =	stream.strided.scatter [tilespmem:s2], [sflag:$0x3], $0x10000, s6, s5, $0x38;
	[tilespmem:$0x10000] =	vst v63  }
0x2cc: {  	s29 =	rddreg [dreg:$0x13]  }
0x2cd: {  	[hbm4b:s29+s5] =	stream.strided.scatter [tilespmem:s2], [sflag:$0x3], $0x10000, s6, s5, $0x38;
	[tilespmem:$0x10000] =	vst v63  }
0x2ce: {  	s30 =	rddreg [dreg:$0x14]  }
0x2cf: {  	[hbm4b:s30+s5] =	stream.strided.scatter [tilespmem:s2], [sflag:$0x3], $0x10000, s6, s5, $0x38;
	[tilespmem:$0x10000] =	vst v63  }
0x2d0: {  	s31 =	rddreg [dreg:$0x15]  }
0x2d1: {  	[hbm4b:s31+s5] =	stream.strided.scatter [tilespmem:s2], [sflag:$0x3], $0x10000, s6, s5, $0x38;
	[tilespmem:$0x10000] =	vst v63  }
0x2d2: {  	_ =	swait.ge [sflag:s4], $0x80000  }
0x2d3: {  	[sflag:s4] =	ssyncset.done $0x0  }
0x2d4: {  	[sflag:s4] =	ssyncadd.s32 $0xFFF80000  }
0x2d5: {  	_ =	swait.ge [sflag:s3], $0x10000  }
0x2d6: {  	[sflag:s3] =	ssyncset.done $0x0  }
0x2d7: {  	[sflag:s3] =	ssyncadd.s32 $0xFFFF0000  }
0x2d8: {  	_ =	swait.ge [sflag:s3], $0x10000  }
0x2d9: {  	[sflag:s3] =	ssyncset.done $0x0  }
0x2da: {  	[sflag:s3] =	ssyncadd.s32 $0xFFFF0000  }
0x2db: {  	_ =	swait.ge [sflag:s3], $0x10000  }
0x2dc: {  	[sflag:s3] =	ssyncset.done $0x0  }
0x2dd: {  	[sflag:s3] =	ssyncadd.s32 $0xFFFF0000  }
0x2de: {  	_ =	swait.ge [sflag:s3], $0x10000  }
0x2df: {  	[sflag:s3] =	ssyncset.done $0x0  }
0x2e0: {  	[sflag:s3] =	ssyncadd.s32 $0xFFFF0000  }
0x2e1: {  	_ =	swait.ge [sflag:s3], $0x10000  }
0x2e2: {  	[sflag:s3] =	ssyncset.done $0x0  }
0x2e3: {  	[sflag:s3] =	ssyncadd.s32 $0xFFFF0000  }
0x2e4: {  	_ =	swait.ge [sflag:s3], $0x10000  }
0x2e5: {  	[sflag:s3] =	ssyncset.done $0x0  }
0x2e6: {  	[sflag:s3] =	ssyncadd.s32 $0xFFFF0000  }
0x2e7: {  	_ =	swait.ge [sflag:s3], $0x10000  }
0x2e8: {  	[sflag:s3] =	ssyncset.done $0x0  }
0x2e9: {  	[sflag:s3] =	ssyncadd.s32 $0xFFFF0000  }
0x2ea: {  	_ =	swait.ge [sflag:s3], $0x10000  }
0x2eb: {  	[sflag:s3] =	ssyncset.done $0x0  }
0x2ec: {  	[sflag:s3] =	ssyncadd.s32 $0xFFFF0000  }
0x2ed: {  	_ =	swait.ge [sflag:s3], $0x10000  }
0x2ee: {  	[sflag:s3] =	ssyncset.done $0x0  }
0x2ef: {  	[sflag:s3] =	ssyncadd.s32 $0xFFFF0000  }
0x2f0: {  	_ =	swait.ge [sflag:s3], $0x10000  }
0x2f1: {  	[sflag:s3] =	ssyncset.done $0x0  }
0x2f2: {  	[sflag:s3] =	ssyncadd.s32 $0xFFFF0000  }
0x2f3: {  	_ =	swait.ge [sflag:s3], $0x10000  }
0x2f4: {  	[sflag:s3] =	ssyncset.done $0x0  }
0x2f5: {  	[sflag:s3] =	ssyncadd.s32 $0xFFFF0000  }
0x2f6: {  	_ =	swait.ge [sflag:s3], $0x10000  }
0x2f7: {  	[sflag:s3] =	ssyncset.done $0x0  }
0x2f8: {  	[sflag:s3] =	ssyncadd.s32 $0xFFFF0000  }
0x2f9: {  	_ =	swait.ge [sflag:s3], $0x10000  }
0x2fa: {  	[sflag:s3] =	ssyncset.done $0x0  }
0x2fb: {  	[sflag:s3] =	ssyncadd.s32 $0xFFFF0000  }
0x2fc: {  	_ =	swait.ge [sflag:s3], $0x10000  }
0x2fd: {  	[sflag:s3] =	ssyncset.done $0x0  }
0x2fe: {  	[sflag:s3] =	ssyncadd.s32 $0xFFFF0000  }
0x2ff: {  	_ =	swait.ge [sflag:s3], $0x10000  }
0x300: {  	[sflag:s3] =	ssyncset.done $0x0  }
0x301: {  	[sflag:s3] =	ssyncadd.s32 $0xFFFF0000  }
0x302: {  	_ =	swait.ge [sflag:s3], $0x10000  }
0x303: {  	[sflag:s3] =	ssyncset.done $0x0  }
0x304: {  	[sflag:s3] =	ssyncadd.s32 $0xFFFF0000  }
0x305: {  	_ =	sfence.sel $0x180000  }
0x306: {  	[bflag:$0x0] =	sbarrier.arrive $0xFFFF  }
0x307: {  	_ =	strace $0x90000047  }
0x308: {  	[bflag:$0x2] =	sbarrier.arrive $0xFFFF  }
0x309: {  	p0 =	sne.s32 s10, $0x0;
	s0 =	rddreg [dreg:$0x3]  }
0x30a: {  	s0 =	sadd.s32 @!p0 $0x100000, s0  }
0x30b: {  	[sflag:s0] =	ssyncadd.tile.s32 @!p0 $0x1;
	_ =	shalt  }
.LBB2_2:
.Ltmp3:
0x30c: {  	(pc) =	sbr.rel .LBB2_5-.Ltmp3, $2  }
0x30d: {  	_ =	sdelay $0x2  }
0x30e: {  	s10 =	stileid.u32  }
.Lfunc_end2:
_tile_overlayer_lowered:
.L_overlay_start_2:
0x30f: {  	(tag) =	ssettag $0x2  }
0x310: {  	s0 =	rddreg [dreg:$0x0];
	s2 =	stileid.u32  }
0x311: {  	s1 =	rddreg [dreg:$0x1];
	p0 =	sne.s32 s2, $0x0  }
0x312: {  	s3 =	rddreg [dreg:$0x2];
	[bflag:$0x3] =	sbarrier.arrive $0xFFFF;
	s2 =	simm.s32 @!p0 $0x1C04  }
0x313: {  	[timem:s3], [sflag:s2] =	dma.local @!p0 [hbm:s0], s1  }
0x314: {  	s0 =	simm.s32 @!p0 $0x4  }
0x315: {  	_ =	swait.ge @!p0 [sflag:s0], s1  }
0x316: {  	s1 =	ssub.s32 @!p0 $0x0, s1;
	[sflag:s0] =	ssyncset.done @!p0 $0x0  }
0x317: {  	[sflag:s0] =	ssyncadd.s32 @!p0 s1  }
0x318: {  	[bflag:$0x3] =	sbarrier.arrive $0xFFFF  }
0x319: {  	_ =	shalt  }

// kernel: sparse-core-data-format-call.cloned.1.call-start
scs
called_computation_lowered:
.L_overlay_start_0:
0x0: {  	s2 =	sld [smem:$0x3FD9]  }
0x1: {  	s3 =	sld [smem:$0x3FFE];
	_ =	sdelay $0x1  }
0x2: {  	s1 =	srdreg.scid  }
0x3: {  	s0 =	sand.u32 $0x1, s1  }
0x4: {  	s18 =	sshll.u32 s0, $0xA;
	s2 =	sadd.s32 s3, s2  }
0x5: {  	s2 =	sadd.s32 s2, s18  }
0x6: {  	[smem:$0x3FC6] =	sst s2  }
0x7: {  	_ = 	snop  }
0x8: {  	s2 =	sld [smem:$0x3FD0];
	(tm) =	ssettm $0x1  }
0x9: {  	s19 =	sld [smem:$0x3FFB];
	_ =	sdelay $0x3  }
0xa: {  	_ =	strace s19  }
0xb: {  	s3 =	sld [smem:$0x3FFC];
	_ =	sdelay $0x3  }
0xc: {  	_ =	strace s3  }
0xd: {  	s3 =	sld [smem:$0x3FFD];
	_ =	sdelay $0x3  }
0xe: {  	_ =	strace s3  }
0xf: {  	_ =	strace $0x8FFFFFFF  }
0x10: {  	s20 =	sld [smem:$0x3FDB];
	_ =	sdelay $0x1  }
0x11: {  	s4 =	simm.s32 $_scs_section_size  }
0x12: {  	s5 =	simm.s32 $_size__tile_overlayer_lowered;
	s6 =	simm.s32 $_tile_overlayer_lowered  }
0x13: {  	s23 =	simm.s32 $0x1BFF;
	s22 =	sshll.u32 s6, $0x1;
	s3 =	sadd.s32 s4, s20  }
0x14: {  	s7 =	simm.s32 $0x0;
	s21 =	sshll.u32 s5, $0x1;
	s5 =	sadd.s32 s22, s3  }
0x15: {  	[timem:s7], [sflag:s23] =	dma.local [hbm:s5], s21  }
0x16: {  	_ =	swait.ge [sflag:s23], s21  }
0x17: {  	s4 =	ssub.s32 $0x0, s21;
	[sflag:s23] =	ssyncset.done $0x0  }
0x18: {  	[sflag:s23] =	ssyncadd.s32 s4;
	_ =	sdelay $0x1  }
0x19: {  	s24 =	simm.s32 $0x1B8B  }
0x1a: {  	_ =	swait.ge [sflag:s24], $0x1  }
0x1b: {  	[sflag:s24] =	ssyncset.done $0x0  }
0x1c: {  	s26 =	simm.s32 $0x1B8E;
	s25 =	sld [smem:$0x3FFE];
	[sflag:s24] =	ssyncadd.s32 $0xFFFFFFFF  }
0x1d: {  	s27 =	simm.s32 $execute0_lowered;
	[smem:$0x3FD2] =	sst s26  }
0x1e: {  	s5 =	sshll.u32 s27, $0x1;
	_ =	strace $0x80000049;
	[dreg:$0x1] =	wrdreg $0xFFFFFFFF  }
0x1f: {  	s28 =	simm.s32 $_size_execute0_lowered;
	s3 =	sadd.s32 s3, s5;
	[dreg:$0x0] =	wrdreg $0x0  }
0x20: {  	s5 =	sshll.u32 s28, $0x1;
	[dreg:$0x2] =	wrdreg s3  }
0x21: {  	[dreg:$0x3] =	wrdreg s5  }
0x22: {  	[dreg:$0x4] =	wrdreg $0xC0  }
0x23: {  	_ =	task [dreg:s7], $0x5FFFF  }
0x24: {  	[dreg:$0x1] =	wrdreg $0xFFFFFFFF  }
0x25: {  	[dreg:$0x0] =	wrdreg $0x60  }
0x26: {  	[dreg:$0x2] =	wrdreg s25  }
0x27: {  	[dreg:$0x3] =	wrdreg s2  }
0x28: {  	[dreg:$0x4] =	wrdreg $0x9  }
0x29: {  	_ =	task.clear_ibuf [dreg:s7], $0x5FFFF;
	_ =	strace $0x90000049  }
0x2a: {  	s29 =	simm.s32 $0x9;
	_ =	strace $0x8000004B  }
0x2b: {  	_ =	swait.ge [sflag:s29], $0x1  }
0x2c: {  	[sflag:s29] =	ssyncadd.s32 $0xFFFFFFFF  }
0x2d: {  	_ =	strace $0x9000004B  }
0x2e: {  	_ =	sfence  }
0x2f: {  	s30 =	sld [smem:$0x0];
	_ =	sdelay $0x2  }
0x30: {  	s31 =	sshll.u32 s1, $0xD;
	s1 =	sshrl.u32 s1, $0x2  }
0x31: {  	s3 =	sand.u32 $0x4000, s31;
	s1 =	sadd.s32 s1, s30  }
0x32: {  	s0 =	sor.u32 s3, s0;
	s1 =	sshll.u32 s1, $0x11  }
0x33: {  	s0 =	sor.u32 s1, s0  }
0x34: {  	s0 =	sadd.s32 $0x8F2B, s0  }
0x35: {  	[sflag:s0] =	ssyncadd.remote.s32 $0x1  }
0x36: {  	_ =	sfence.sel $0xFFFF  }
0x37: {  	[dreg:$0x0] =	wrdreg $0xFFFFFFFF;
	(pc) =	sbr.abs _section_cstart, $3  }
0x38: {  	[dreg:$0x1] =	wrdreg $0xFFFFFFFF  }
0x39: {  	_ =	task.clear_ibuf [dreg:s7], $0x2FFFF;
	_ =	strace $0x9FFFFFFF  }
0x3a: {  	(tm) =	ssettm $0x7FFFFFFF  }
0x3b: {  	_ =	shalt  }
tec
execute0_lowered:
.L_overlay_start_1:
0x0: {  	(tag) =	ssettag $0x1  }
0x1: {  	s5 =	rddreg [dreg:$0x0]  }
0x2: {  	s0 =	srdreg.scid;
	s3 =	rddreg [dreg:$0x1];
	s7 =	simm.s32 $0x1  }
0x3: {  	s8 =	simm.s32 $0x2;
	s16 =	simm.s32 $0x0;
	s1 =	sshll.u32 s0, $0x4  }
0x4: {  	s18 =	simm.s32 $0x0;
	s0 =	stileid.u32;
	s1 =	sand.u32 $0x10, s1  }
0x5: {  	s17 =	simm.s32 $0x0;
	s9 =	simm.s32 $0x0;
	s1 =	sor.u32 s0, s1  }
0x6: {  	s10 =	simm.s32 $0x0;
	s11 =	simm.s32 $0x0;
	s2 =	sshll.u32 s1, $0x7  }
0x7: {  	s12 =	simm.s32 $0x0;
	s13 =	simm.s32 $0x0;
	s6 =	ssub.s32 $0x4000, s2  }
0x8: {  	s15 =	simm.s32 $0x0;
	s5 =	sadd.s32 $0x800, s5;
	s4 =	sand.u32 $0xF80, s6  }
.Ltmp0:
0x9: {  	s1 =	rddreg [dreg:$0x2];
	p0 =	sne.s32 s4, $0x0;
	(pc) =	sbr.rel .LBB1_1-.Ltmp0, $4  }
0xa: {  	_ =	strace $0x8000004A;
	s6 =	sshrl.u32 s6, $0xC;
	s7 =	simm.s32 @!p0 $0x0  }
0xb: {  	s14 =	smov.u32 s2;
	s4 =	simm.s32 $0x1;
	s6 =	sadd.s32 s7, s6  }
0xc: {  	[sflag:s4] =	ssyncpa.u1 $0x0;
	p0 =	por $0x0, $0x0;
	s6 =	sshll.u32 s6, $0x7  }
0xd: {  	[sflag:s8] =	ssyncpa.u1 $0x0;
	s8 =	simm.s32 $0x20000;
	s7 =	sor.u32 $0x1, s6  }
.LBB1_4:
0xe: {  	s23 =	sshra.s32 s23, $0x2;
	s30 =	sshll.u32 s9, $0xE  }
0xf: {  	p1 =	sgt.s32 s10, $0x3F;
	s24 =	smov.u32 s10;
	s25 =	sshra.s32 s10, $0x1F  }
0x10: {  	s26 =	sshll.u32 s11, $0x3;
	s28 =	smov.u32 s11;
	s29 =	sshra.s32 s11, $0x1F  }
0x11: {  	s22 =	sadd.s32 s23, s22;
	s24 =	simm.s32 @!p1 $0x3F;
	s25 =	sand.u32 s25, s10  }
0x12: {  	s23 =	sand.u32 $0xFFFE0000, s30;
	s27 =	sand.u32 $0xFFFFFC00, s26;
	p1 =	sgt.s32 s9, $0x20  }
0x13: {  	s31 =	sand.u32 s29, s11;
	s29 =	sshll.u32 s9, $0x7;
	s30 =	sshra.s32 s9, $0x1F  }
0x14: {  	[tilespmem:s21+$0x2040 ss:$0x81] =	vst.msk $0xffff, v4;
	s24 =	ssub.s32 s24, s25;
	s23 =	sadd.s32 s27, s23;
	s27 =	smov.u32 s9  }
0x15: {  	[tilespmem:s21+$0x2850 ss:$0x81] =	vst.msk $0xffff, v3;
	s29 =	sand.u32 $0x380, s29;
	s25 =	sadd.s32 $0xFFFFFFC1, s24;
	s27 =	simm.s32 @!p1 $0x20  }
0x16: {  	v5 =	vld [tilespmem:s20+$0xFFFFFFD0];
	[tilespmem:s21+$0x3060 ss:$0x81] =	vst.msk $0xffff, v2;
	p1 =	sgt.s32 s11, $0x3F80;
	s23 =	sshrl.u32 s23, $0xE;
	s24 =	ssub.s32 $0x40, s24  }
0x17: {  	v58 =	vld [tilespmem:s20+$0xFFFFFFE0];
	[tilespmem:s21+$0x0 ss:$0x81] =	vst.msk $0xffff, v1;
	s28 =	simm.s32 @!p1 $0x3F80;
	p1 =	sgt.s32 s25, $0x0;
	s21 =	smulhi.u32 $0x199999A, s23  }
0x18: {  	v59 =	vld [tilespmem:s20+$0xFFFFFFF0];
	s25 =	ssub.s32 s28, s31;
	s28 =	sand.u32 s30, s9;
	s24 =	simm.s32 @p1 $0x0  }
0x19: {  	v60 =	vld [tilespmem:s20+$0x0];
	s27 =	ssub.s32 s27, s28;
	s31 =	sadd.s32 $0xFFFFC080, s25;
	s25 =	ssub.s32 $0x4000, s25  }
0x1a: {  	v61 =	vld [tilespmem:s20+$0x10];
	[tilespmem:s22+$0x3870 ss:$0x81] =	vst.msk $0xffff, v0;
	s21 =	smul.u32 $0xA0, s21;
	s28 =	sand.u32 $0x7, s11;
	p1 =	sgt.s32 s31, $0x7F  }
0x1b: {  	v62 =	vld [tilespmem:s20+$0x20];
	[tilespmem:s22+$0x810 ss:$0x81] =	vst.msk $0xffff, v5;
	s30 =	sadd.s32 $0xFFFFFFE0, s27;
	s31 =	sand.u32 $0x78, s11;
	s25 =	simm.s32 @p1 $0x0  }
0x1c: {  	v63 =	vld [tilespmem:s20+$0xFFFFFFC0];
	[tilespmem:s22+$0x1020 ss:$0x81] =	vst.msk $0xffff, v58;
	p1 =	sgt.s32 s30, $0x7F;
	s30 =	sand.u32 $0x3C00, s26;
	s24 =	smul.u32 s25, s24  }
0x1d: {  	[tilespmem:s22+$0x1830 ss:$0x81] =	vst.msk $0xffff, v59;
	s26 =	ssub.s32 $0xA0, s27;
	s20 =	sor.u32 s31, s30;
	s31 =	smul.u32 $0x50000, s10  }
0x1e: {  	[tilespmem:s22+$0x2040 ss:$0x81] =	vst.msk $0xffff, v60;
	s21 =	ssub.s32 s23, s21;
	s26 =	simm.s32 @p1 $0x0;
	s20 =	sor.u32 s29, s20  }
0x1f: {  	[tilespmem:s22+$0x2850 ss:$0x81] =	vst.msk $0xffff, v61;
	s26 =	smul.u32 s26, s24;
	s20 =	sshrl.u32 s20, $0x3;
	s27 =	sadd.s32 s3, s31  }
0x20: {  	[tilespmem:s22+$0x3060 ss:$0x81] =	vst.msk $0xffff, v62;
	s21 =	sshll.u32 s21, $0xB;
	s29 =	sshll.u32 s28, $0x12;
	s20 =	sadd.s32 s20, s27  }
0x21: {  	[tilespmem:s22+$0x0 ss:$0x81] =	vst.msk $0xffff, v63;
	s31 =	sor.u32 $0x400, s29;
	s30 =	sand.u32 $0x3FFFFFFF, s26;
	s20 =	sadd.s32 s21, s20  }
0x22: {  	[hbm4b:s20+s31] =	stream.strided.scatter [tilespmem:s19], [sflag:$0x2], s30, s8, s31, $0x20;
	[tilespmem:$0x10100] =	vst v63  }
.LBB1_5:
0x23: {  	p1 =	slt.u32 s15, $0x2  }
0x24: {  	p2 =	sgt.s32 @!p1 s18, $0x3F  }
0x25: {  	s19 =	smov.u32 s18;
	s20 =	sshra.s32 @!p1 s18, $0x1F;
	p2 =	por !p2, p1  }
0x26: {  	s18 =	sand.u32 @!p1 s20, s18;
	s19 =	simm.s32 @p2 $0x3F  }
0x27: {  	p3 =	sgt.s32 @!p1 s16, $0x20;
	s18 =	ssub.s32 @!p1 s19, s18  }
0x28: {  	p4 =	sgt.s32 @!p1 s17, $0x3F80;
	s21 =	sshra.s32 @!p1 s17, $0x1F;
	s19 =	sadd.s32 @!p1 $0xFFFFFFC1, s18  }
0x29: {  	s20 =	smov.u32 s16;
	p2 =	sgt.s32 @!p1 s19, $0x0;
	s19 =	sshra.s32 @!p1 s16, $0x1F  }
0x2a: {  	p4 =	por !p4, p1;
	s16 =	sand.u32 @!p1 s19, s16;
	s19 =	smov.u32 s17  }
0x2b: {  	p3 =	por !p3, p1;
	s17 =	sand.u32 @!p1 s21, s17;
	s19 =	simm.s32 @p4 $0x3F80  }
0x2c: {  	s20 =	simm.s32 @p3 $0x20;
	s18 =	ssub.s32 @!p1 $0x40, s18;
	s17 =	ssub.s32 @!p1 s19, s17  }
0x2d: {  	p2 =	por !p2, p1;
	s16 =	ssub.s32 @!p1 s20, s16;
	s20 =	sadd.s32 @!p1 $0xFFFFC080, s17  }
0x2e: {  	s18 =	simm.s32 @!p2 $0x0;
	p3 =	sgt.s32 @!p1 s20, $0x7F  }
0x2f: {  	s19 =	sadd.s32 @!p1 $0xFFFFFFE0, s16;
	s17 =	ssub.s32 @!p1 $0x4000, s17;
	p3 =	por !p3, p1  }
0x30: {  	p2 =	sgt.s32 @!p1 s19, $0x7F;
	s19 =	sadd.s32 $0x80, s12;
	s17 =	simm.s32 @!p3 $0x0  }
0x31: {  	p3 =	sgt.s32 s19, $0x9F;
	s17 =	smul.u32 @!p1 s17, s18;
	s18 =	simm.s32 $0x1  }
0x32: {  	s16 =	ssub.s32 @!p1 $0xA0, s16;
	p2 =	por !p2, p1;
	s18 =	simm.s32 @!p3 $0x0  }
0x33: {  	s21 =	smov.u32 s14;
	s16 =	simm.s32 @!p2 $0x0;
	s20 =	sadd.s32 s18, s13  }
0x34: {  	s16 =	smul.u32 @!p1 s16, s17;
	s17 =	sadd.s32 $0x1000, s14;
	p2 =	sgt.s32 s20, $0x3F  }
0x35: {  	p0 =	por !p0, !p0;
	s22 =	simm.s32 @!p1 $0x2;
	s21 =	smov.u32 @p2 s17  }
0x36: {  	s19 =	simm.s32 @p3 $0x0;
	s20 =	simm.s32 @p2 $0x0;
	p2 =	sgt.s32 s21, $0x3FFF  }
0x37: {  	s18 =	smov.u32 s10;
	s21 =	smov.u32 @p2 s2;
	p2 =	sne.s32 s15, s7  }
.Ltmp1:
0x38: {  	s10 =	smov.u32 s13;
	s16 =	sand.u32 @!p1 $0x3FFFFFFF, s16;
	(pc) =	sbr.rel @!p2 .LBB1_6-.Ltmp1, $4  }
0x39: {  	s17 =	smov.u32 s11;
	s11 =	smov.u32 s14;
	_ =	swait.ge @!p1 [sflag:s22], s16  }
0x3a: {  	s23 =	ssub.s32 @!p1 $0x0, s16;
	s16 =	smov.u32 s9;
	s9 =	smov.u32 s12  }
0x3b: {  	s12 =	smov.u32 s19;
	s13 =	smov.u32 s20;
	[sflag:s22] =	ssyncset.done @!p1 $0x0  }
0x3c: {  	s15 =	sadd.s32 $0x1, s15;
	[sflag:s22] =	ssyncadd.s32 @!p1 s23;
	s14 =	smov.u32 s21  }
.LBB1_1:
0x3d: {  	p1 =	sge.u32 s15, s6  }
0x3e: {  	s31 =	sadd.s32 $0xFFFFFFFF, s15;
	s19 =	sxor.u32 @!p1 $0xFFFFFFFF, s15  }
0x3f: {  	s20 =	sshll.u32 @!p1 s13, $0x8;
	s21 =	sshll.u32 @!p1 s12, $0x3;
	s22 =	sshll.u32 @!p1 s13, $0x7  }
0x40: {  	s23 =	sand.u32 @!p1 $0x78, s12;
	s20 =	sand.u32 @!p1 $0x3800, s20;
	s21 =	sand.u32 @!p1 $0x3C00, s21  }
0x41: {  	s19 =	sshll.u32 @!p1 s19, $0xE;
	s20 =	sadd.s32 @!p1 s20, s21;
	s21 =	sand.u32 @!p1 $0x300, s22  }
0x42: {  	s19 =	sand.u32 @!p1 $0x4000, s19;
	s20 =	sor.u32 @!p1 s21, s20;
	s21 =	sand.u32 @!p1 $0x80, s22  }
0x43: {  	s22 =	sshll.u32 @!p1 s14, $0xB;
	s21 =	sor.u32 @!p1 s23, s21;
	s20 =	sshrl.u32 @!p1 s20, $0x3  }
0x44: {  	s22 =	sadd.s32 @!p1 s5, s22;
	s23 =	sand.u32 @!p1 $0x7, s12;
	s21 =	sshrl.u32 @!p1 s21, $0x3  }
0x45: {  	s20 =	sand.u32 @!p1 $0x7E0, s20;
	s21 =	sadd.s32 @!p1 s21, s22;
	s22 =	sshll.u32 @!p1 s23, $0x12  }
0x46: {  	s20 =	sadd.s32 @!p1 s20, s21;
	s21 =	sor.u32 @!p1 $0x80, s22;
	s22 =	simm.s32 @!p1 $0x4000  }
0x47: {  	[tilespmem:s19], [sflag:$0x1] =	stream.strided.gather @!p1 [hbm4b:s20+s21], $0x4000, s22, s21, $0x38;
	[tilespmem:$0x10100] =	vst v63  }
0x48: {  	p1 =	sge.u32 s31, s6  }
.Ltmp2:
0x49: {  	_ = 	snop;
	(pc) =	sbr.rel @p1 .LBB1_5-.Ltmp2, $1  }
0x4a: {  	_ =	sdelay $0x3  }
0x4b: {  	s19 =	simm.s32 $0x1  }
0x4c: {  	_ =	swait.ge [sflag:s4], $0x4000;
	s19 =	simm.s32 @!p0 $0x0  }
0x4d: {  	[sflag:s4] =	ssyncset.done $0x0;
	s20 =	sshll.u32 s19, $0xE  }
0x4e: {  	[sflag:s4] =	ssyncadd.s32 $0xFFFFC000;
	s20 =	sor.u32 $0x40, s20  }
0x4f: {  	s19 =	smul.u32 $0x10200, s19;
	v0 =	vld [tilespmem:s20+$0x30]  }
0x50: {  	v1 =	vld [tilespmem:s20+$0xFFFFFFD0]  }
0x51: {  	s19 =	sshrl.u32 s19, $0x2;
	v5 =	vld [tilespmem:s20+$0xFFFFFFE0]  }
0x52: {  	v6 =	vld [tilespmem:s20+$0xFFFFFFF0];
	s22 =	sor.u32 $0x8000, s19  }
0x53: {  	s31 =	sand.u32 $0x1, s15;
	v4 =	vld [tilespmem:s20+$0x0];
	s21 =	sadd.s32 $0x0, s22  }
0x54: {  	v3 =	vld [tilespmem:s20+$0x10];
	s19 =	smul.u32 $0x10200, s31;
	[tilespmem:s21+$0x3870 ss:$0x81] =	vst.msk $0xffff, v0  }
0x55: {  	v2 =	vld [tilespmem:s20+$0x20];
	[tilespmem:s21+$0x810 ss:$0x81] =	vst.msk $0xffff, v1  }
0x56: {  	s19 =	sshrl.u32 s19, $0x2;
	v1 =	vld [tilespmem:s20+$0xFFFFFFC0];
	[tilespmem:s21+$0x1020 ss:$0x81] =	vst.msk $0xffff, v5;
	s20 =	sadd.s32 $0x80, s20  }
0x57: {  	s23 =	simm.s32 $0x4;
	s24 =	simm.s32 $0x8;
	s19 =	sor.u32 $0x8000, s19;
	[tilespmem:s21+$0x1830 ss:$0x81] =	vst.msk $0xffff, v6;
	v0 =	vld [tilespmem:s20+$0x30]  }
.LBB1_3:
0x58: {  	p1 =	sne.s32 s24, $0x1FC;
	v5 =	vld [tilespmem:s20+$0xFFFFFFD0];
	[tilespmem:s21+$0x2040 ss:$0x81] =	vst.msk $0xffff, v4  }
0x59: {  	v6 =	vld [tilespmem:s20+$0xFFFFFFE0];
	[tilespmem:s21+$0x2850 ss:$0x81] =	vst.msk $0xffff, v3  }
0x5a: {  	s25 =	sshra.s32 s23, $0x2;
	s23 =	smov.u32 s24;
	v7 =	vld [tilespmem:s20+$0xFFFFFFF0];
	[tilespmem:s21+$0x3060 ss:$0x81] =	vst.msk $0xffff, v2  }
.Ltmp3:
0x5b: {  	v4 =	vld [tilespmem:s20+$0x0];
	[tilespmem:s21+$0x0 ss:$0x81] =	vst.msk $0xffff, v1;
	s21 =	sadd.s32 s25, s22;
	(pc) =	sbr.rel @p1 .LBB1_3-.Ltmp3, $4  }
0x5c: {  	v3 =	vld [tilespmem:s20+$0x10];
	[tilespmem:s21+$0x3870 ss:$0x81] =	vst.msk $0xffff, v0  }
0x5d: {  	[tilespmem:s21+$0x810 ss:$0x81] =	vst.msk $0xffff, v5;
	v2 =	vld [tilespmem:s20+$0x20]  }
0x5e: {  	v1 =	vld [tilespmem:s20+$0xFFFFFFC0];
	[tilespmem:s21+$0x1020 ss:$0x81] =	vst.msk $0xffff, v6;
	s20 =	sadd.s32 $0x80, s20  }
0x5f: {  	s24 =	sadd.s32 $0x4, s24;
	v0 =	vld [tilespmem:s20+$0x30];
	[tilespmem:s21+$0x1830 ss:$0x81] =	vst.msk $0xffff, v7  }
.Ltmp4:
0x60: {  	_ = 	snop;
	(pc) =	sbr.rel .LBB1_4-.Ltmp4, $1  }
0x61: {  	_ =	sdelay $0x3  }
.LBB1_6:
0x62: {  	_ =	sfence.sel $0x180000  }
0x63: {  	s2 =	simm.s32 $0x1;
	[bflag:$0x0] =	sbarrier.arrive $0xFFFF  }
0x64: {  	s31 =	simm.s32 $0x2;
	[sflag:s2] =	ssyncpa.u1 $0x1  }
0x65: {  	[sflag:s31] =	ssyncpa.u1 $0x1  }
0x66: {  	p0 =	sne.s32 s0, $0x0;
	_ =	strace $0x9000004A  }
0x67: {  	s0 =	sadd.s32 @!p0 $0x100000, s1;
	[bflag:$0x2] =	sbarrier.arrive $0xFFFF  }
0x68: {  	[sflag:s0] =	ssyncadd.tile.s32 @!p0 $0x1;
	_ =	shalt  }
.Lfunc_end1:
_tile_overlayer_lowered:
.L_overlay_start_2:
0x69: {  	(tag) =	ssettag $0x2  }
0x6a: {  	s0 =	rddreg [dreg:$0x0];
	s2 =	stileid.u32  }
0x6b: {  	s1 =	rddreg [dreg:$0x1];
	p0 =	sne.s32 s2, $0x0  }
0x6c: {  	s3 =	rddreg [dreg:$0x2];
	[bflag:$0x3] =	sbarrier.arrive $0xFFFF;
	s2 =	simm.s32 @!p0 $0x1C01  }
0x6d: {  	[timem:s3], [sflag:s2] =	dma.local @!p0 [hbm:s0], s1  }
0x6e: {  	s0 =	simm.s32 @!p0 $0x1  }
0x6f: {  	_ =	swait.ge @!p0 [sflag:s0], s1  }
0x70: {  	s1 =	ssub.s32 @!p0 $0x0, s1;
	[sflag:s0] =	ssyncset.done @!p0 $0x0  }
0x71: {  	[sflag:s0] =	ssyncadd.s32 @!p0 s1  }
0x72: {  	[bflag:$0x3] =	sbarrier.arrive $0xFFFF  }
0x73: {  	_ =	shalt  }

</sc_bundles>
